<compile_context>
chip_gen: v7x
topology: tpu7x:2x2x1
jax: 0.10.2.dev20260603
libtpu: 0.0.44.dev20260713+nightly
codegen_flags: <defaults>
</compile_context>

<pallas_src>
import functools

import jax
import jax.numpy as jnp
from jax import lax
from jax.experimental import pallas as pl
from jax.experimental.pallas import tpu as pltpu
from jax.experimental.pallas import tpu_sc as plsc

B, N, D, E = 4, 2048, 4096, 64
CAP = 40
BN1 = 512
NB1 = N // BN1
BN2 = 512
NB2 = N // BN2
EPS = 1e-9


def _route_kernel(x_ref, w_ref, p_ref, cnt_ref, loss_ref, z_ref,
                  c1_ref, c2_ref, pacc_ref, zacc_ref):
    nb = pl.program_id(1)

    @pl.when(nb == 0)
    def _init():
        c1_ref[...] = jnp.zeros_like(c1_ref)
        c2_ref[...] = jnp.zeros_like(c2_ref)
        pacc_ref[...] = jnp.zeros_like(pacc_ref)
        zacc_ref[...] = jnp.zeros_like(zacc_ref)

    @pl.when((pl.program_id(0) == 0) & (nb == 0))
    def _init_scalars():
        loss_ref[...] = jnp.zeros_like(loss_ref)
        z_ref[...] = jnp.zeros_like(z_ref)

    x = x_ref[0]
    w = w_ref[...]
    logits = jnp.dot(x, w, preferred_element_type=jnp.float32)
    m = jnp.max(logits, axis=1, keepdims=True)
    ex = jnp.exp(logits - m)
    s = jnp.sum(ex, axis=1, keepdims=True)
    raw = ex / s
    ii = lax.broadcasted_iota(jnp.int32, (BN1, E), 1)
    g1 = jnp.max(raw, axis=1, keepdims=True)
    i1 = jnp.min(jnp.where(raw == g1, ii, E), axis=1, keepdims=True)
    m1 = (ii == i1).astype(jnp.float32)
    raw2 = raw * (1.0 - m1)
    g2 = jnp.max(raw2, axis=1, keepdims=True)
    i2 = jnp.min(jnp.where(raw2 == g2, ii, E), axis=1, keepdims=True)
    m2 = (ii == i2).astype(jnp.float32)
    denom = g1 + g2 + EPS
    g1n = g1 / denom
    g2n = g2 / denom
    ti = lax.broadcasted_iota(jnp.int32, (BN1, BN1), 0)
    tj = lax.broadcasted_iota(jnp.int32, (BN1, BN1), 1)
    ltri = (tj < ti).astype(jnp.float32)
    ex1 = jnp.dot(ltri, m1, preferred_element_type=jnp.float32)
    ex2 = jnp.dot(ltri, m2, preferred_element_type=jnp.float32)
    pos1 = jnp.sum((ex1 + c1_ref[...]) * m1, axis=1, keepdims=True)
    rp2 = jnp.sum((ex2 + c2_ref[...]) * m2, axis=1, keepdims=True)
    c1_ref[...] += jnp.sum(m1, axis=0, keepdims=True)
    c2_ref[...] += jnp.sum(m2, axis=0, keepdims=True)
    pacc_ref[...] += jnp.sum(raw, axis=0, keepdims=True)
    zacc_ref[...] += jnp.sum(m + jnp.log(s), axis=0, keepdims=True)
    t1 = jnp.where(pos1 < float(CAP),
                   i1.astype(jnp.float32) * float(CAP) + pos1, -1.0)
    zero = jnp.zeros_like(g1)
    p_ref[0] = jnp.concatenate(
        [g1n, g2n, t1, i2.astype(jnp.float32), rp2, zero, zero, zero], axis=1)

    @pl.when(nb == NB1 - 1)
    def _finalize():
        cnt_ref[0] = jnp.broadcast_to(c1_ref[...], (8, E))
        loss_ref[...] += jnp.sum(pacc_ref[...] * c1_ref[...], axis=1,
                                 keepdims=True) * (float(E) / (B * float(N) * float(N)))
        z_ref[...] += zacc_ref[...] * (1.0 / B)


TOK = B * N
NW = 32
TPW = TOK // NW
CH = 16
NCH = TPW // CH
SLOTS = E * CAP


def _sc_mat_body(p_hbm, cnt_hbm, comb_hbm, disp_hbm, pv, cv, slab):
    wid = lax.axis_index("s") * 2 + lax.axis_index("c")
    base = wid * TPW
    b = base // N
    n0 = base - b * N
    pltpu.sync_copy(p_hbm.at[pl.ds(base * 8, TPW * 8)], pv)
    pltpu.sync_copy(cnt_hbm.at[pl.ds(b * 8 * E, E)], cv)

    def _zero(i, _):
        slab[pl.ds(i * 16, 16)] = jnp.zeros((16,), jnp.float32)
        return _
    lax.fori_loop(0, CH * SLOTS // 16, _zero, None)

    lane = lax.iota(jnp.int32, 16)
    ones = jnp.ones((16,), jnp.float32)
    zeros = jnp.zeros((16,), jnp.float32)

    def _chunk(c, _):
        tok0 = c * CH
        row = lane + tok0

        def col(q):
            return plsc.load_gather(pv, [row * 8 + q])

        g1 = col(0)
        g2 = col(1)
        t1 = col(2).astype(jnp.int32)
        i2 = col(3).astype(jnp.int32)
        rp2 = col(4)
        mask1 = t1 >= 0
        cgt = plsc.load_gather(cv, [i2])
        pos2 = rp2 + jnp.minimum(cgt, float(CAP))
        mask2 = pos2 < float(CAP)
        t2 = jnp.where(mask2, i2 * CAP + pos2.astype(jnp.int32), 0)
        base1 = lane * SLOTS + jnp.where(mask1, t1, 0)
        base2 = lane * SLOTS + t2
        plsc.store_scatter(slab, [base1], g1, mask=mask1)
        plsc.store_scatter(slab, [base2], g2, mask=mask2)
        pltpu.sync_copy(slab, comb_hbm.at[pl.ds((base + tok0) * SLOTS, CH * SLOTS)])
        plsc.store_scatter(slab, [base1], ones, mask=mask1 & (g1 != 0.0))
        plsc.store_scatter(slab, [base2], ones, mask=mask2 & (g2 != 0.0))
        pltpu.sync_copy(slab, disp_hbm.at[pl.ds((base + tok0) * SLOTS, CH * SLOTS)])
        plsc.store_scatter(slab, [base1], zeros, mask=mask1)
        plsc.store_scatter(slab, [base2], zeros, mask=mask2)
        return _
    lax.fori_loop(0, NCH, _chunk, None)


def _mat_kernel(p_ref, cnt_ref, comb_ref, disp_ref):
    pb = p_ref[0]
    g1 = pb[:, 0:1]
    g2 = pb[:, 1:2]
    t1 = pb[:, 2:3].astype(jnp.int32)
    i2 = pb[:, 3:4].astype(jnp.int32)
    rp2 = pb[:, 4:5]
    cnt = jnp.minimum(cnt_ref[0, 0:1, :], float(CAP))
    ii = lax.broadcasted_iota(jnp.int32, (BN2, E), 1)
    m2 = (ii == i2).astype(jnp.float32)
    pos2 = rp2 + jnp.sum(m2 * cnt, axis=1, keepdims=True)
    t2 = jnp.where(pos2 < float(CAP),
                   i2.astype(jnp.float32) * float(CAP) + pos2, -1.0).astype(jnp.int32)
    k2 = lax.broadcasted_iota(jnp.int32, (BN2, E * CAP), 1)
    comb = jnp.where(k2 == t1, g1, 0.0) + jnp.where(k2 == t2, g2, 0.0)
    comb_ref[0] = comb
    disp_ref[0] = jnp.where(comb != 0.0, 1.0, 0.0)


def kernel(x, w_gating):
    p, cnt, loss, z = pl.pallas_call(
        _route_kernel,
        grid=(B, NB1),
        in_specs=[
            pl.BlockSpec((1, BN1, D), lambda b, nb: (b, nb, 0)),
            pl.BlockSpec((D, E), lambda b, nb: (0, 0)),
        ],
        out_specs=[
            pl.BlockSpec((1, BN1, 8), lambda b, nb: (b, nb, 0)),
            pl.BlockSpec((1, 8, E), lambda b, nb: (b, 0, 0)),
            pl.BlockSpec((1, 1), lambda b, nb: (0, 0)),
            pl.BlockSpec((1, 1), lambda b, nb: (0, 0)),
        ],
        out_shape=[
            jax.ShapeDtypeStruct((B, N, 8), jnp.float32),
            jax.ShapeDtypeStruct((B, 8, E), jnp.float32),
            jax.ShapeDtypeStruct((1, 1), jnp.float32),
            jax.ShapeDtypeStruct((1, 1), jnp.float32),
        ],
        scratch_shapes=[
            pltpu.VMEM((1, E), jnp.float32),
            pltpu.VMEM((1, E), jnp.float32),
            pltpu.VMEM((1, E), jnp.float32),
            pltpu.VMEM((1, 1), jnp.float32),
        ],
    )(x, w_gating)
    sc_mat = functools.partial(
        pl.kernel,
        out_type=[jax.ShapeDtypeStruct((TOK * SLOTS,), jnp.float32),
                  jax.ShapeDtypeStruct((TOK * SLOTS,), jnp.float32)],
        mesh=plsc.VectorSubcoreMesh(core_axis_name="c", subcore_axis_name="s"),
        scratch_types=[
            pltpu.VMEM((TPW * 8,), jnp.float32),
            pltpu.VMEM((E,), jnp.float32),
            pltpu.VMEM((CH * SLOTS,), jnp.float32),
        ],
        compiler_params=pltpu.CompilerParams(needs_layout_passes=False),
    )(_sc_mat_body)
    comb, disp = sc_mat(p.reshape(TOK * 8), cnt.reshape(B * 8 * E))
    return (disp.reshape(B, N, E, CAP), comb.reshape(B, N, E, CAP),
            loss.reshape(()), z.reshape(()))

# --- scband reference (transcript-rebuilt; emitter-appended) ---
"""Pipeline reference for scband-top2-gating-42296837931656 (READ-ONLY COPY).

The authoritative reference and input builder live on the scoring server;
editing this copy changes nothing except your own understanding.
"""

import jax, jax.numpy as jnp
import numpy as np

NUM_GATES = 64
EPS = 1e-09
CAPACITY_FACTOR = 1.25
MIN_EXPERT_CAPACITY = 4


def cumsum_exclusive(t):
    pad_width = [(0, 0)] * t.ndim
    pad_width[-2] = (1, 0)
    return jnp.cumsum(jnp.pad(t, pad_width), axis=-2)[..., :-1, :]


def setup_inputs(seed: int = 0) -> dict:
    key = jax.random.key(seed)
    k1, k2 = jax.random.split(key)
    x = jax.random.normal(k1, (4, 2048, 4096), dtype=jnp.float32)
    w_gating = jax.random.normal(k2, (4096, NUM_GATES), dtype=jnp.float32)
    return {"x": x, "w_gating": w_gating}


def _forward(x, w_gating):
    b, group_size, dim = x.shape
    num_gates = NUM_GATES
    gate_logits = jnp.einsum('bnd,de->bne', x, w_gating)
    raw_gates = jax.nn.softmax(gate_logits, axis=-1)
    gate_1 = jnp.max(raw_gates, axis=-1)
    index_1 = jnp.argmax(raw_gates, axis=-1)
    mask_1 = jax.nn.one_hot(index_1, num_gates, dtype=jnp.float32)
    density_1_proxy = raw_gates
    gates_without_top_1 = raw_gates * (1.0 - mask_1)
    gate_2 = jnp.max(gates_without_top_1, axis=-1)
    index_2 = jnp.argmax(gates_without_top_1, axis=-1)
    mask_2 = jax.nn.one_hot(index_2, num_gates, dtype=jnp.float32)
    denom = gate_1 + gate_2 + EPS
    gate_1 = gate_1 / denom
    gate_2 = gate_2 / denom
    density_1 = jnp.mean(mask_1, axis=-2)
    density_1_proxy = jnp.mean(density_1_proxy, axis=-2)
    loss = jnp.mean(density_1_proxy * density_1) * float(num_gates ** 2)
    # policy == 'all': mask_2 unchanged
    expert_capacity = min(group_size, int(group_size * CAPACITY_FACTOR / num_gates))
    expert_capacity = max(expert_capacity, MIN_EXPERT_CAPACITY)
    expert_capacity_f = float(expert_capacity)
    position_in_expert_1 = cumsum_exclusive(mask_1) * mask_1
    mask_1 = mask_1 * (position_in_expert_1 < expert_capacity_f).astype(jnp.float32)
    mask_1_count = jnp.sum(mask_1, axis=-2, keepdims=True)
    mask_1_flat = jnp.sum(mask_1, axis=-1)
    position_in_expert_1 = jnp.sum(position_in_expert_1, axis=-1)
    gate_1 = gate_1 * mask_1_flat
    position_in_expert_2 = cumsum_exclusive(mask_2) + mask_1_count
    position_in_expert_2 = position_in_expert_2 * mask_2
    mask_2 = mask_2 * (position_in_expert_2 < expert_capacity_f).astype(jnp.float32)
    mask_2_flat = jnp.sum(mask_2, axis=-1)
    position_in_expert_2 = jnp.sum(position_in_expert_2, axis=-1)
    gate_2 = gate_2 * mask_2_flat
    combine_tensor = (
        gate_1[..., None, None]
        * mask_1_flat[..., None, None]
        * jax.nn.one_hot(index_1, num_gates, dtype=jnp.float32)[..., None]
        * jax.nn.one_hot(position_in_expert_1.astype(jnp.int32), expert_capacity, dtype=jnp.float32)[..., None, :]
        + gate_2[..., None, None]
        * mask_2_flat[..., None, None]
        * jax.nn.one_hot(index_2, num_gates, dtype=jnp.float32)[..., None]
        * jax.nn.one_hot(position_in_expert_2.astype(jnp.int32), expert_capacity, dtype=jnp.float32)[..., None, :]
    )
    dispatch_tensor = (combine_tensor != 0).astype(combine_tensor.dtype)
    router_z_loss = jax.nn.logsumexp(gate_logits, axis=-1)
    router_z_loss = jnp.mean(jnp.sum(router_z_loss, axis=-1))
    return dispatch_tensor, combine_tensor, loss, router_z_loss


def reference(x, w_gating):
    return _forward(x, w_gating)

if __name__ == "__main__":
    import jax
    _d = setup_inputs()
    print(jax.jit(kernel)(*tuple(_d.values())))

</pallas_src>

<mosaic_0001>
#map = affine_map<(d0, d1) -> (0)>
module attributes {stable_mosaic.version = 14 : i64} {
  func.func @_sc_mat_body(%arg0: i32, %arg1: i32, %arg2: memref<65536xf32, #tpu.memory_space<hbm>>, %arg3: memref<2048xf32, #tpu.memory_space<hbm>>, %arg4: memref<20971520xf32, #tpu.memory_space<hbm>>, %arg5: memref<20971520xf32, #tpu.memory_space<hbm>>, %arg6: memref<2048xf32, #tpu.memory_space<vmem>>, %arg7: memref<64xf32, #tpu.memory_space<vmem>>, %arg8: memref<40960xf32, #tpu.memory_space<vmem>>) attributes {dimension_semantics = [#tpu.dimension_semantics<core_parallel>, #tpu.dimension_semantics<subcore_parallel>], iteration_bounds = array<i64: 2, 16>, scalar_prefetch = 0 : i64, scratch_operands = 3 : i64, tpu.core_type = #tpu.core_type<sc_vector_subcore>, window_params = [{transform_indices = #map}, {transform_indices = #map}, {transform_indices = #map}, {transform_indices = #map}]} {
    %mul3A = arith.constant 2 : i32
    %mul3A_0 = arith.muli %arg1, %mul3A : i32
    %add3A = arith.addi %mul3A_0, %arg0 : i32
    %mul3A_1 = arith.constant 256 : i32
    %mul3A_2 = arith.muli %add3A, %mul3A_1 : i32
    %jit3A = arith.constant 2048 : i32
    %div3A = arith.divsi %mul3A_2, %jit3A : i32
    %sign3A = arith.constant 0 : i32
    %sign3A_3 = arith.cmpi sgt, %mul3A_2, %sign3A : i32
    %sign3A_4 = arith.extui %sign3A_3 : i1 to i32
    %sign3A_5 = arith.constant 0 : i32
    %sign3A_6 = arith.cmpi slt, %mul3A_2, %sign3A_5 : i32
    %sign3A_7 = arith.extui %sign3A_6 : i1 to i32
    %sign3A_8 = arith.subi %sign3A_4, %sign3A_7 : i32
    %sign3A_9 = arith.constant 0 : i32
    %sign3A_10 = arith.cmpi sgt, %jit3A, %sign3A_9 : i32
    %sign3A_11 = arith.extui %sign3A_10 : i1 to i32
    %sign3A_12 = arith.constant 0 : i32
    %sign3A_13 = arith.cmpi slt, %jit3A, %sign3A_12 : i32
    %sign3A_14 = arith.extui %sign3A_13 : i1 to i32
    %sign3A_15 = arith.subi %sign3A_11, %sign3A_14 : i32
    %ne3A = arith.cmpi ne, %sign3A_8, %sign3A_15 : i32
    %rem3A = arith.remsi %mul3A_2, %jit3A : i32
    %ne3A_16 = arith.constant 0 : i32
    %ne3A_17 = arith.cmpi ne, %rem3A, %ne3A_16 : i32
    %and3A = arith.andi %ne3A, %ne3A_17 : i1
    %sub3A = arith.constant 1 : i32
    %sub3A_18 = arith.subi %div3A, %sub3A : i32
    %select_n3A = arith.select %and3A, %sub3A_18, %div3A : i32
    %mul3A_19 = arith.constant 2048 : i32
    %mul3A_20 = arith.muli %select_n3A, %mul3A_19 : i32
    %sub3A_21 = arith.subi %mul3A_2, %mul3A_20 : i32
    %mul3A_22 = arith.constant 8 : i32
    %mul3A_23 = arith.muli %mul3A_2, %mul3A_22 : i32
    "tpu.region"() ({
      %run_scoped3A = tpu.sem_alloc : memref<!tpu.dma_semaphore, #tpu.memory_space<semaphore_mem>>
      %dma_start3A = tpu.memref_slice %arg2[%mul3A_23] : memref<65536xf32, #tpu.memory_space<hbm>> -> memref<2048xf32, #tpu.memory_space<hbm>>
      %dma_start3A_40 = tpu.memref_slice %arg2[%mul3A_23] : memref<65536xf32, #tpu.memory_space<hbm>> -> memref<2048xf32, #tpu.memory_space<hbm>>
      tpu.enqueue_dma source(%dma_start3A_40 : memref<2048xf32, #tpu.memory_space<hbm>>) target(%arg6 : memref<2048xf32, #tpu.memory_space<vmem>>) target_semaphore(%run_scoped3A : memref<!tpu.dma_semaphore, #tpu.memory_space<semaphore_mem>>)
      %dma_wait3A = tpu.memref_slice %arg2[%mul3A_23] : memref<65536xf32, #tpu.memory_space<hbm>> -> memref<2048xf32, #tpu.memory_space<hbm>>
      %dma_wait3A_41 = tpu.memref_slice %arg2[%mul3A_23] : memref<65536xf32, #tpu.memory_space<hbm>> -> memref<2048xf32, #tpu.memory_space<hbm>>
      tpu.wait_dma2 semaphore(%run_scoped3A : memref<!tpu.dma_semaphore, #tpu.memory_space<semaphore_mem>>) src(%dma_wait3A_41 : memref<2048xf32, #tpu.memory_space<hbm>>) dst(%arg6 : memref<2048xf32, #tpu.memory_space<vmem>>)
      tpu.yield
    }) : () -> ()
    %mul3A_24 = arith.constant 8 : i32
    %mul3A_25 = arith.muli %select_n3A, %mul3A_24 : i32
    %mul3A_26 = arith.constant 64 : i32
    %mul3A_27 = arith.muli %mul3A_25, %mul3A_26 : i32
    "tpu.region"() ({
      %run_scoped3A = tpu.sem_alloc : memref<!tpu.dma_semaphore, #tpu.memory_space<semaphore_mem>>
      %dma_start3A = tpu.memref_slice %arg3[%mul3A_27] : memref<2048xf32, #tpu.memory_space<hbm>> -> memref<64xf32, #tpu.memory_space<hbm>>
      %dma_start3A_40 = tpu.memref_slice %arg3[%mul3A_27] : memref<2048xf32, #tpu.memory_space<hbm>> -> memref<64xf32, #tpu.memory_space<hbm>>
      tpu.enqueue_dma source(%dma_start3A_40 : memref<64xf32, #tpu.memory_space<hbm>>) target(%arg7 : memref<64xf32, #tpu.memory_space<vmem>>) target_semaphore(%run_scoped3A : memref<!tpu.dma_semaphore, #tpu.memory_space<semaphore_mem>>)
      %dma_wait3A = tpu.memref_slice %arg3[%mul3A_27] : memref<2048xf32, #tpu.memory_space<hbm>> -> memref<64xf32, #tpu.memory_space<hbm>>
      %dma_wait3A_41 = tpu.memref_slice %arg3[%mul3A_27] : memref<2048xf32, #tpu.memory_space<hbm>> -> memref<64xf32, #tpu.memory_space<hbm>>
      tpu.wait_dma2 semaphore(%run_scoped3A : memref<!tpu.dma_semaphore, #tpu.memory_space<semaphore_mem>>) src(%dma_wait3A_41 : memref<64xf32, #tpu.memory_space<hbm>>) dst(%arg7 : memref<64xf32, #tpu.memory_space<vmem>>)
      tpu.yield
    }) : () -> ()
    %scan3A = arith.constant 0 : i32
    %scan3A_28 = arith.constant 2560 : i32
    %scan3A_29 = arith.addi %scan3A, %scan3A_28 : i32
    %scan3A_30 = arith.constant 1 : i32
    scf.for %scan3A_40 = %scan3A to %scan3A_29 step %scan3A_30  : i32 {
      %broadcast_in_dim3A_41 = arith.constant 0.000000e+00 : f32
      %broadcast_in_dim3A_42 = vector.broadcast %broadcast_in_dim3A_41 : f32 to vector<16xf32>
      %mul3A_43 = arith.constant 16 : i32
      %mul3A_44 = arith.muli %scan3A_40, %mul3A_43 : i32
      %swap3A = arith.index_cast %mul3A_44 : i32 to index
      %swap3A_45 = tpu.vector_load %arg8[%swap3A] {strides = array<i32>} : memref<40960xf32, #tpu.memory_space<vmem>>, vector<16xf32>,
      tpu.vector_store %arg8[%swap3A], %broadcast_in_dim3A_42 {strides = array<i32>} : memref<40960xf32, #tpu.memory_space<vmem>>, vector<16xf32>,
    }
    %scan3A_31 = arith.constant 2560 : i32
    %iota3A = tpu.iota {dimensions = array<i32: 0>} : vector<16xi32>
    %broadcast_in_dim3A = arith.constant 1.000000e+00 : f32
    %broadcast_in_dim3A_32 = vector.broadcast %broadcast_in_dim3A : f32 to vector<16xf32>
    %broadcast_in_dim3A_33 = arith.constant 0.000000e+00 : f32
    %broadcast_in_dim3A_34 = vector.broadcast %broadcast_in_dim3A_33 : f32 to vector<16xf32>
    %scan3A_35 = arith.constant 0 : i32
    %scan3A_36 = arith.constant 16 : i32
    %scan3A_37 = arith.addi %scan3A_35, %scan3A_36 : i32
    %scan3A_38 = arith.constant 1 : i32
    scf.for %scan3A_40 = %scan3A_35 to %scan3A_37 step %scan3A_38  : i32 {
      %mul3A_41 = arith.constant 16 : i32
      %mul3A_42 = arith.muli %scan3A_40, %mul3A_41 : i32
      %add3A_43 = vector.broadcast %mul3A_42 : i32 to vector<16xi32>
      %add3A_44 = arith.addi %iota3A, %add3A_43 : vector<16xi32>
      %mul3A_45 = arith.constant 8 : i32
      %mul3A_46 = vector.broadcast %mul3A_45 : i32 to vector<16xi32>
      %mul3A_47 = arith.muli %add3A_44, %mul3A_46 : vector<16xi32>
      %add3A_48 = arith.constant 0 : i32
      %add3A_49 = vector.broadcast %add3A_48 : i32 to vector<16xi32>
      %add3A_50 = arith.addi %mul3A_47, %add3A_49 : vector<16xi32>
      %gather3A = tpu.vector_load_idx %arg6[%add3A_50] : memref<2048xf32, #tpu.memory_space<vmem>>[vector<16xi32>], vector<16xf32>,
      %mul3A_51 = arith.constant 8 : i32
      %mul3A_52 = vector.broadcast %mul3A_51 : i32 to vector<16xi32>
      %mul3A_53 = arith.muli %add3A_44, %mul3A_52 : vector<16xi32>
      %add3A_54 = arith.constant 1 : i32
      %add3A_55 = vector.broadcast %add3A_54 : i32 to vector<16xi32>
      %add3A_56 = arith.addi %mul3A_53, %add3A_55 : vector<16xi32>
      %gather3A_57 = tpu.vector_load_idx %arg6[%add3A_56] : memref<2048xf32, #tpu.memory_space<vmem>>[vector<16xi32>], vector<16xf32>,
      %mul3A_58 = arith.constant 8 : i32
      %mul3A_59 = vector.broadcast %mul3A_58 : i32 to vector<16xi32>
      %mul3A_60 = arith.muli %add3A_44, %mul3A_59 : vector<16xi32>
      %add3A_61 = arith.constant 2 : i32
      %add3A_62 = vector.broadcast %add3A_61 : i32 to vector<16xi32>
      %add3A_63 = arith.addi %mul3A_60, %add3A_62 : vector<16xi32>
      %gather3A_64 = tpu.vector_load_idx %arg6[%add3A_63] : memref<2048xf32, #tpu.memory_space<vmem>>[vector<16xi32>], vector<16xf32>,
      %convert_element_type3A = arith.fptosi %gather3A_64 : vector<16xf32> to vector<16xi32>
      %mul3A_65 = arith.constant 8 : i32
      %mul3A_66 = vector.broadcast %mul3A_65 : i32 to vector<16xi32>
      %mul3A_67 = arith.muli %add3A_44, %mul3A_66 : vector<16xi32>
      %add3A_68 = arith.constant 3 : i32
      %add3A_69 = vector.broadcast %add3A_68 : i32 to vector<16xi32>
      %add3A_70 = arith.addi %mul3A_67, %add3A_69 : vector<16xi32>
      %gather3A_71 = tpu.vector_load_idx %arg6[%add3A_70] : memref<2048xf32, #tpu.memory_space<vmem>>[vector<16xi32>], vector<16xf32>,
      %convert_element_type3A_72 = arith.fptosi %gather3A_71 : vector<16xf32> to vector<16xi32>
      %mul3A_73 = arith.constant 8 : i32
      %mul3A_74 = vector.broadcast %mul3A_73 : i32 to vector<16xi32>
      %mul3A_75 = arith.muli %add3A_44, %mul3A_74 : vector<16xi32>
      %add3A_76 = arith.constant 4 : i32
      %add3A_77 = vector.broadcast %add3A_76 : i32 to vector<16xi32>
      %add3A_78 = arith.addi %mul3A_75, %add3A_77 : vector<16xi32>
      %gather3A_79 = tpu.vector_load_idx %arg6[%add3A_78] : memref<2048xf32, #tpu.memory_space<vmem>>[vector<16xi32>], vector<16xf32>,
      %ge3A = arith.constant 0 : i32
      %ge3A_80 = vector.broadcast %ge3A : i32 to vector<16xi32>
      %ge3A_81 = arith.cmpi sge, %convert_element_type3A, %ge3A_80 : vector<16xi32>
      %gather3A_82 = tpu.vector_load_idx %arg7[%convert_element_type3A_72] : memref<64xf32, #tpu.memory_space<vmem>>[vector<16xi32>], vector<16xf32>,
      %min3A = arith.constant 4.000000e+01 : f32
      %min3A_83 = vector.broadcast %min3A : f32 to vector<16xf32>
      %min3A_84 = arith.minimumf %gather3A_82, %min3A_83 : vector<16xf32>
      %add3A_85 = arith.addf %gather3A_79, %min3A_84 : vector<16xf32>
      %lt3A = arith.constant 4.000000e+01 : f32
      %lt3A_86 = vector.broadcast %lt3A : f32 to vector<16xf32>
      %lt3A_87 = arith.cmpf olt, %add3A_85, %lt3A_86 : vector<16xf32>
      %mul3A_88 = arith.constant 40 : i32
      %mul3A_89 = vector.broadcast %mul3A_88 : i32 to vector<16xi32>
      %mul3A_90 = arith.muli %convert_element_type3A_72, %mul3A_89 : vector<16xi32>
      %convert_element_type3A_91 = arith.fptosi %add3A_85 : vector<16xf32> to vector<16xi32>
      %add3A_92 = arith.addi %mul3A_90, %convert_element_type3A_91 : vector<16xi32>
      %jit3A_93 = arith.constant 0 : i32
      %broadcast_in_dim3A_94 = vector.broadcast %jit3A_93 : i32 to vector<16xi32>
      %select_n3A_95 = arith.select %lt3A_87, %add3A_92, %broadcast_in_dim3A_94 : vector<16xi1>, vector<16xi32>
      %mul3A_96 = arith.constant 2560 : i32
      %mul3A_97 = vector.broadcast %mul3A_96 : i32 to vector<16xi32>
      %mul3A_98 = arith.muli %iota3A, %mul3A_97 : vector<16xi32>
      %jit3A_99 = arith.constant 0 : i32
      %broadcast_in_dim3A_100 = vector.broadcast %jit3A_99 : i32 to vector<16xi32>
      %select_n3A_101 = arith.select %ge3A_81, %convert_element_type3A, %broadcast_in_dim3A_100 : vector<16xi1>, vector<16xi32>
      %add3A_102 = arith.addi %mul3A_98, %select_n3A_101 : vector<16xi32>
      %mul3A_103 = arith.constant 2560 : i32
      %mul3A_104 = vector.broadcast %mul3A_103 : i32 to vector<16xi32>
      %mul3A_105 = arith.muli %iota3A, %mul3A_104 : vector<16xi32>
      %add3A_106 = arith.addi %mul3A_105, %select_n3A_95 : vector<16xi32>
      tpu.vector_store_idx %arg8[%add3A_102], %gather3A masked %ge3A_81 : memref<40960xf32, #tpu.memory_space<vmem>>[vector<16xi32>], vector<16xf32>, vector<16xi1>
      tpu.vector_store_idx %arg8[%add3A_106], %gather3A_57 masked %lt3A_87 : memref<40960xf32, #tpu.memory_space<vmem>>[vector<16xi32>], vector<16xf32>, vector<16xi1>
      %add3A_107 = arith.addi %mul3A_2, %mul3A_42 : i32
      %mul3A_108 = arith.constant 2560 : i32
      %mul3A_109 = arith.muli %add3A_107, %mul3A_108 : i32
      "tpu.region"() ({
        %run_scoped3A = tpu.sem_alloc : memref<!tpu.dma_semaphore, #tpu.memory_space<semaphore_mem>>
        %dma_start3A = tpu.memref_slice %arg4[%mul3A_109] : memref<20971520xf32, #tpu.memory_space<hbm>> -> memref<40960xf32, #tpu.memory_space<hbm>>
        %dma_start3A_121 = tpu.memref_slice %arg4[%mul3A_109] : memref<20971520xf32, #tpu.memory_space<hbm>> -> memref<40960xf32, #tpu.memory_space<hbm>>
        tpu.enqueue_dma source(%arg8 : memref<40960xf32, #tpu.memory_space<vmem>>) target(%dma_start3A_121 : memref<40960xf32, #tpu.memory_space<hbm>>) target_semaphore(%run_scoped3A : memref<!tpu.dma_semaphore, #tpu.memory_space<semaphore_mem>>)
        %dma_wait3A = tpu.memref_slice %arg4[%mul3A_109] : memref<20971520xf32, #tpu.memory_space<hbm>> -> memref<40960xf32, #tpu.memory_space<hbm>>
        %dma_wait3A_122 = tpu.memref_slice %arg4[%mul3A_109] : memref<20971520xf32, #tpu.memory_space<hbm>> -> memref<40960xf32, #tpu.memory_space<hbm>>
        tpu.wait_dma2 semaphore(%run_scoped3A : memref<!tpu.dma_semaphore, #tpu.memory_space<semaphore_mem>>) src(%arg8 : memref<40960xf32, #tpu.memory_space<vmem>>) dst(%dma_wait3A_122 : memref<40960xf32, #tpu.memory_space<hbm>>)
        tpu.yield
      }) : () -> ()
      %ne3A_110 = arith.constant 0.000000e+00 : f32
      %ne3A_111 = vector.broadcast %ne3A_110 : f32 to vector<16xf32>
      %ne3A_112 = arith.cmpf one, %gather3A, %ne3A_111 : vector<16xf32>
      %and3A_113 = arith.andi %ge3A_81, %ne3A_112 : vector<16xi1>
      tpu.vector_store_idx %arg8[%add3A_102], %broadcast_in_dim3A_32 masked %and3A_113 : memref<40960xf32, #tpu.memory_space<vmem>>[vector<16xi32>], vector<16xf32>, vector<16xi1>
      %ne3A_114 = arith.constant 0.000000e+00 : f32
      %ne3A_115 = vector.broadcast %ne3A_114 : f32 to vector<16xf32>
      %ne3A_116 = arith.cmpf one, %gather3A_57, %ne3A_115 : vector<16xf32>
      %and3A_117 = arith.andi %lt3A_87, %ne3A_116 : vector<16xi1>
      tpu.vector_store_idx %arg8[%add3A_106], %broadcast_in_dim3A_32 masked %and3A_117 : memref<40960xf32, #tpu.memory_space<vmem>>[vector<16xi32>], vector<16xf32>, vector<16xi1>
      %add3A_118 = arith.addi %mul3A_2, %mul3A_42 : i32
      %mul3A_119 = arith.constant 2560 : i32
      %mul3A_120 = arith.muli %add3A_118, %mul3A_119 : i32
      "tpu.region"() ({
        %run_scoped3A = tpu.sem_alloc : memref<!tpu.dma_semaphore, #tpu.memory_space<semaphore_mem>>
        %dma_start3A = tpu.memref_slice %arg5[%mul3A_120] : memref<20971520xf32, #tpu.memory_space<hbm>> -> memref<40960xf32, #tpu.memory_space<hbm>>
        %dma_start3A_121 = tpu.memref_slice %arg5[%mul3A_120] : memref<20971520xf32, #tpu.memory_space<hbm>> -> memref<40960xf32, #tpu.memory_space<hbm>>
        tpu.enqueue_dma source(%arg8 : memref<40960xf32, #tpu.memory_space<vmem>>) target(%dma_start3A_121 : memref<40960xf32, #tpu.memory_space<hbm>>) target_semaphore(%run_scoped3A : memref<!tpu.dma_semaphore, #tpu.memory_space<semaphore_mem>>)
        %dma_wait3A = tpu.memref_slice %arg5[%mul3A_120] : memref<20971520xf32, #tpu.memory_space<hbm>> -> memref<40960xf32, #tpu.memory_space<hbm>>
        %dma_wait3A_122 = tpu.memref_slice %arg5[%mul3A_120] : memref<20971520xf32, #tpu.memory_space<hbm>> -> memref<40960xf32, #tpu.memory_space<hbm>>
        tpu.wait_dma2 semaphore(%run_scoped3A : memref<!tpu.dma_semaphore, #tpu.memory_space<semaphore_mem>>) src(%arg8 : memref<40960xf32, #tpu.memory_space<vmem>>) dst(%dma_wait3A_122 : memref<40960xf32, #tpu.memory_space<hbm>>)
        tpu.yield
      }) : () -> ()
      tpu.vector_store_idx %arg8[%add3A_102], %broadcast_in_dim3A_34 masked %ge3A_81 : memref<40960xf32, #tpu.memory_space<vmem>>[vector<16xi32>], vector<16xf32>, vector<16xi1>
      tpu.vector_store_idx %arg8[%add3A_106], %broadcast_in_dim3A_34 masked %lt3A_87 : memref<40960xf32, #tpu.memory_space<vmem>>[vector<16xi32>], vector<16xf32>, vector<16xi1>
    }
    %scan3A_39 = arith.constant 16 : i32
    return
  }
}

module attributes {stable_mosaic.version = 14 : i64} {
  func.func @_route_kernel(%arg0: i32, %arg1: i32, %arg2: memref<1x512x4096xf32, #tpu.memory_space<vmem>>, %arg3: memref<4096x64xf32, #tpu.memory_space<vmem>>, %arg4: memref<1x512x8xf32, #tpu.memory_space<vmem>>, %arg5: memref<1x8x64xf32, #tpu.memory_space<vmem>>, %arg6: memref<1x1xf32, #tpu.memory_space<vmem>>, %arg7: memref<1x1xf32, #tpu.memory_space<vmem>>, %arg8: memref<1x64xf32, #tpu.memory_space<vmem>>, %arg9: memref<1x64xf32, #tpu.memory_space<vmem>>, %arg10: memref<1x64xf32, #tpu.memory_space<vmem>>, %arg11: memref<1x1xf32, #tpu.memory_space<vmem>>) attributes {dimension_semantics = [#tpu.dimension_semantics<arbitrary>, #tpu.dimension_semantics<arbitrary>], iteration_bounds = array<i64: 4, 4>, scalar_prefetch = 0 : i64, scratch_operands = 4 : i64, tpu.core_type = #tpu.core_type<tc>, window_params = [{transform_indices = @transform_0, window_bounds = array<i64: 1, 512, 4096>}, {pipeline_mode = #tpu.pipeline_mode<synchronous>, transform_indices = @transform_1, window_bounds = array<i64: 4096, 64>}, {transform_indices = @transform_2, window_bounds = array<i64: 1, 512, 8>}, {transform_indices = @transform_3, window_bounds = array<i64: 1, 8, 64>}, {pipeline_mode = #tpu.pipeline_mode<synchronous>, transform_indices = @transform_4, window_bounds = array<i64: 1, 1>}, {pipeline_mode = #tpu.pipeline_mode<synchronous>, transform_indices = @transform_5, window_bounds = array<i64: 1, 1>}]} {
    %eq3A = arith.constant 0 : i32
    %eq3A_0 = arith.cmpi eq, %arg1, %eq3A : i32
    %convert_element_type3A = arith.extui %eq3A_0 : i1 to i32
    %cond3A = arith.constant 0 : i32
    %cond3A_1 = arith.cmpi ne, %convert_element_type3A, %cond3A : i32
    scf.if %cond3A_1 {
      %broadcast_in_dim3A_148 = arith.constant 0.000000e+00 : f32
      %broadcast_in_dim3A_149 = vector.broadcast %broadcast_in_dim3A_148 : f32 to vector<1x64xf32>
      %swap3A_150 = arith.constant 0 : index
      %swap3A_151 = arith.constant 0 : index
      %swap3A_152 = vector.load %arg8[%swap3A_150, %swap3A_151] : memref<1x64xf32, #tpu.memory_space<vmem>>, vector<1x64xf32>
      tpu.vector_store %arg8[%swap3A_150, %swap3A_151], %broadcast_in_dim3A_149 {strides = array<i32>} : memref<1x64xf32, #tpu.memory_space<vmem>>, vector<1x64xf32>,
      %broadcast_in_dim3A_153 = arith.constant 0.000000e+00 : f32
      %broadcast_in_dim3A_154 = vector.broadcast %broadcast_in_dim3A_153 : f32 to vector<1x64xf32>
      %swap3A_155 = arith.constant 0 : index
      %swap3A_156 = arith.constant 0 : index
      %swap3A_157 = vector.load %arg9[%swap3A_155, %swap3A_156] : memref<1x64xf32, #tpu.memory_space<vmem>>, vector<1x64xf32>
      tpu.vector_store %arg9[%swap3A_155, %swap3A_156], %broadcast_in_dim3A_154 {strides = array<i32>} : memref<1x64xf32, #tpu.memory_space<vmem>>, vector<1x64xf32>,
      %broadcast_in_dim3A_158 = arith.constant 0.000000e+00 : f32
      %broadcast_in_dim3A_159 = vector.broadcast %broadcast_in_dim3A_158 : f32 to vector<1x64xf32>
      %swap3A_160 = arith.constant 0 : index
      %swap3A_161 = arith.constant 0 : index
      %swap3A_162 = vector.load %arg10[%swap3A_160, %swap3A_161] : memref<1x64xf32, #tpu.memory_space<vmem>>, vector<1x64xf32>
      tpu.vector_store %arg10[%swap3A_160, %swap3A_161], %broadcast_in_dim3A_159 {strides = array<i32>} : memref<1x64xf32, #tpu.memory_space<vmem>>, vector<1x64xf32>,
      %broadcast_in_dim3A_163 = arith.constant 0.000000e+00 : f32
      %broadcast_in_dim3A_164 = vector.broadcast %broadcast_in_dim3A_163 : f32 to vector<1x1xf32>
      %swap3A_165 = arith.constant 0 : index
      %swap3A_166 = arith.constant 0 : index
      %swap3A_167 = vector.load %arg11[%swap3A_165, %swap3A_166] : memref<1x1xf32, #tpu.memory_space<vmem>>, vector<1x1xf32>
      tpu.vector_store %arg11[%swap3A_165, %swap3A_166], %broadcast_in_dim3A_164 {strides = array<i32>} : memref<1x1xf32, #tpu.memory_space<vmem>>, vector<1x1xf32>,
    } else {
    }
    %eq3A_2 = arith.constant 0 : i32
    %eq3A_3 = arith.cmpi eq, %arg0, %eq3A_2 : i32
    %eq3A_4 = arith.constant 0 : i32
    %eq3A_5 = arith.cmpi eq, %arg1, %eq3A_4 : i32
    %and3A = arith.andi %eq3A_3, %eq3A_5 : i1
    %convert_element_type3A_6 = arith.extui %and3A : i1 to i32
    %cond3A_7 = arith.constant 0 : i32
    %cond3A_8 = arith.cmpi ne, %convert_element_type3A_6, %cond3A_7 : i32
    scf.if %cond3A_8 {
      %broadcast_in_dim3A_148 = arith.constant 0.000000e+00 : f32
      %broadcast_in_dim3A_149 = vector.broadcast %broadcast_in_dim3A_148 : f32 to vector<1x1xf32>
      %swap3A_150 = arith.constant 0 : index
      %swap3A_151 = arith.constant 0 : index
      %swap3A_152 = vector.load %arg6[%swap3A_150, %swap3A_151] : memref<1x1xf32, #tpu.memory_space<vmem>>, vector<1x1xf32>
      tpu.vector_store %arg6[%swap3A_150, %swap3A_151], %broadcast_in_dim3A_149 {strides = array<i32>} : memref<1x1xf32, #tpu.memory_space<vmem>>, vector<1x1xf32>,
      %broadcast_in_dim3A_153 = arith.constant 0.000000e+00 : f32
      %broadcast_in_dim3A_154 = vector.broadcast %broadcast_in_dim3A_153 : f32 to vector<1x1xf32>
      %swap3A_155 = arith.constant 0 : index
      %swap3A_156 = arith.constant 0 : index
      %swap3A_157 = vector.load %arg7[%swap3A_155, %swap3A_156] : memref<1x1xf32, #tpu.memory_space<vmem>>, vector<1x1xf32>
      tpu.vector_store %arg7[%swap3A_155, %swap3A_156], %broadcast_in_dim3A_154 {strides = array<i32>} : memref<1x1xf32, #tpu.memory_space<vmem>>, vector<1x1xf32>,
    } else {
    }
    %get3A = arith.constant 0 : index
    %get3A_9 = arith.constant 0 : index
    %get3A_10 = arith.constant 0 : index
    %get3A_11 = vector.load %arg2[%get3A, %get3A_9, %get3A_10] : memref<1x512x4096xf32, #tpu.memory_space<vmem>>, vector<1x512x4096xf32>
    %get3A_12 = vector.shape_cast %get3A_11 : vector<1x512x4096xf32> to vector<512x4096xf32>
    %get3A_13 = arith.constant 0 : index
    %get3A_14 = arith.constant 0 : index
    %get3A_15 = vector.load %arg3[%get3A_13, %get3A_14] : memref<4096x64xf32, #tpu.memory_space<vmem>>, vector<4096x64xf32>
    %dot_general3A = arith.constant dense<0.000000e+00> : vector<512x64xf32>
    %dot_general3A_16 = tpu.matmul %get3A_12, %get3A_15, %dot_general3A {dimension_numbers = #tpu.dot_dimension_numbers<[1], [0], [0], [1], [0, 0, 1, 1], [], []>, transpose_lhs_hint = false} : vector<512x4096xf32>, vector<4096x64xf32>, vector<512x64xf32> -> vector<512x64xf32>
    %reduce_max3A = arith.constant dense<0xFF800000> : vector<512xf32>
    %reduce_max3A_17 = vector.multi_reduction <maximumf>, %dot_general3A_16, %reduce_max3A [1] : vector<512x64xf32> to vector<512xf32>
    %broadcast_in_dim3A = vector.shape_cast %reduce_max3A_17 : vector<512xf32> to vector<512x1xf32>
    %sub3A = vector.broadcast %broadcast_in_dim3A : vector<512x1xf32> to vector<512x64xf32>
    %sub3A_18 = arith.subf %dot_general3A_16, %sub3A : vector<512x64xf32>
    %exp3A = math.exp %sub3A_18 : vector<512x64xf32>
    %reduce_sum3A = arith.constant dense<0.000000e+00> : vector<512xf32>
    %reduce_sum3A_19 = vector.multi_reduction <add>, %exp3A, %reduce_sum3A [1] : vector<512x64xf32> to vector<512xf32>
    %broadcast_in_dim3A_20 = vector.shape_cast %reduce_sum3A_19 : vector<512xf32> to vector<512x1xf32>
    %div3A = vector.broadcast %broadcast_in_dim3A_20 : vector<512x1xf32> to vector<512x64xf32>
    %div3A_21 = arith.divf %exp3A, %div3A : vector<512x64xf32>
    %iota3A = tpu.iota {dimensions = array<i32: 1>} : vector<512x64xi32>
    %reduce_max3A_22 = arith.constant dense<0xFF800000> : vector<512xf32>
    %reduce_max3A_23 = vector.multi_reduction <maximumf>, %div3A_21, %reduce_max3A_22 [1] : vector<512x64xf32> to vector<512xf32>
    %broadcast_in_dim3A_24 = vector.shape_cast %reduce_max3A_23 : vector<512xf32> to vector<512x1xf32>
    %eq3A_25 = vector.broadcast %broadcast_in_dim3A_24 : vector<512x1xf32> to vector<512x64xf32>
    %eq3A_26 = arith.cmpf oeq, %div3A_21, %eq3A_25 : vector<512x64xf32>
    %jit3A = arith.constant 64 : i32
    %broadcast_in_dim3A_27 = vector.broadcast %jit3A : i32 to vector<512x64xi32>
    %select_n3A = arith.select %eq3A_26, %iota3A, %broadcast_in_dim3A_27 : vector<512x64xi1>, vector<512x64xi32>
    %reduce_min3A = arith.constant dense<2147483647> : vector<512xi32>
    %reduce_min3A_28 = vector.multi_reduction <minsi>, %select_n3A, %reduce_min3A [1] : vector<512x64xi32> to vector<512xi32>
    %broadcast_in_dim3A_29 = vector.shape_cast %reduce_min3A_28 : vector<512xi32> to vector<512x1xi32>
    %eq3A_30 = vector.broadcast %broadcast_in_dim3A_29 : vector<512x1xi32> to vector<512x64xi32>
    %eq3A_31 = arith.cmpi eq, %iota3A, %eq3A_30 : vector<512x64xi32>
    %convert_element_type3A_32 = arith.extui %eq3A_31 : vector<512x64xi1> to vector<512x64xi32>
    %convert_element_type3A_33 = arith.sitofp %convert_element_type3A_32 : vector<512x64xi32> to vector<512x64xf32>
    %sub3A_34 = arith.constant 1.000000e+00 : f32
    %sub3A_35 = vector.broadcast %sub3A_34 : f32 to vector<512x64xf32>
    %sub3A_36 = arith.subf %sub3A_35, %convert_element_type3A_33 : vector<512x64xf32>
    %mul3A = arith.mulf %div3A_21, %sub3A_36 : vector<512x64xf32>
    %reduce_max3A_37 = arith.constant dense<0xFF800000> : vector<512xf32>
    %reduce_max3A_38 = vector.multi_reduction <maximumf>, %mul3A, %reduce_max3A_37 [1] : vector<512x64xf32> to vector<512xf32>
    %broadcast_in_dim3A_39 = vector.shape_cast %reduce_max3A_38 : vector<512xf32> to vector<512x1xf32>
    %eq3A_40 = vector.broadcast %broadcast_in_dim3A_39 : vector<512x1xf32> to vector<512x64xf32>
    %eq3A_41 = arith.cmpf oeq, %mul3A, %eq3A_40 : vector<512x64xf32>
    %jit3A_42 = arith.constant 64 : i32
    %broadcast_in_dim3A_43 = vector.broadcast %jit3A_42 : i32 to vector<512x64xi32>
    %select_n3A_44 = arith.select %eq3A_41, %iota3A, %broadcast_in_dim3A_43 : vector<512x64xi1>, vector<512x64xi32>
    %reduce_min3A_45 = arith.constant dense<2147483647> : vector<512xi32>
    %reduce_min3A_46 = vector.multi_reduction <minsi>, %select_n3A_44, %reduce_min3A_45 [1] : vector<512x64xi32> to vector<512xi32>
    %broadcast_in_dim3A_47 = vector.shape_cast %reduce_min3A_46 : vector<512xi32> to vector<512x1xi32>
    %eq3A_48 = vector.broadcast %broadcast_in_dim3A_47 : vector<512x1xi32> to vector<512x64xi32>
    %eq3A_49 = arith.cmpi eq, %iota3A, %eq3A_48 : vector<512x64xi32>
    %convert_element_type3A_50 = arith.extui %eq3A_49 : vector<512x64xi1> to vector<512x64xi32>
    %convert_element_type3A_51 = arith.sitofp %convert_element_type3A_50 : vector<512x64xi32> to vector<512x64xf32>
    %add3A = arith.addf %broadcast_in_dim3A_24, %broadcast_in_dim3A_39 : vector<512x1xf32>
    %add3A_52 = arith.constant 9.99999971E-10 : f32
    %add3A_53 = vector.broadcast %add3A_52 : f32 to vector<512x1xf32>
    %add3A_54 = arith.addf %add3A, %add3A_53 : vector<512x1xf32>
    %div3A_55 = arith.divf %broadcast_in_dim3A_24, %add3A_54 : vector<512x1xf32>
    %div3A_56 = arith.divf %broadcast_in_dim3A_39, %add3A_54 : vector<512x1xf32>
    %iota3A_57 = tpu.iota {dimensions = array<i32: 0>} : vector<512x512xi32>
    %iota3A_58 = tpu.iota {dimensions = array<i32: 1>} : vector<512x512xi32>
    %lt3A = arith.cmpi slt, %iota3A_58, %iota3A_57 : vector<512x512xi32>
    %convert_element_type3A_59 = arith.extui %lt3A : vector<512x512xi1> to vector<512x512xi32>
    %convert_element_type3A_60 = arith.sitofp %convert_element_type3A_59 : vector<512x512xi32> to vector<512x512xf32>
    %dot_general3A_61 = arith.constant dense<0.000000e+00> : vector<512x64xf32>
    %dot_general3A_62 = tpu.matmul %convert_element_type3A_60, %convert_element_type3A_33, %dot_general3A_61 {dimension_numbers = #tpu.dot_dimension_numbers<[1], [0], [0], [1], [0, 0, 1, 1], [], []>, transpose_lhs_hint = false} : vector<512x512xf32>, vector<512x64xf32>, vector<512x64xf32> -> vector<512x64xf32>
    %dot_general3A_63 = arith.constant dense<0.000000e+00> : vector<512x64xf32>
    %dot_general3A_64 = tpu.matmul %convert_element_type3A_60, %convert_element_type3A_51, %dot_general3A_63 {dimension_numbers = #tpu.dot_dimension_numbers<[1], [0], [0], [1], [0, 0, 1, 1], [], []>, transpose_lhs_hint = false} : vector<512x512xf32>, vector<512x64xf32>, vector<512x64xf32> -> vector<512x64xf32>
    %get3A_65 = arith.constant 0 : index
    %get3A_66 = arith.constant 0 : index
    %get3A_67 = vector.load %arg8[%get3A_65, %get3A_66] : memref<1x64xf32, #tpu.memory_space<vmem>>, vector<1x64xf32>
    %add3A_68 = vector.broadcast %get3A_67 : vector<1x64xf32> to vector<512x64xf32>
    %add3A_69 = arith.addf %dot_general3A_62, %add3A_68 : vector<512x64xf32>
    %mul3A_70 = arith.mulf %add3A_69, %convert_element_type3A_33 : vector<512x64xf32>
    %reduce_sum3A_71 = arith.constant dense<0.000000e+00> : vector<512xf32>
    %reduce_sum3A_72 = vector.multi_reduction <add>, %mul3A_70, %reduce_sum3A_71 [1] : vector<512x64xf32> to vector<512xf32>
    %broadcast_in_dim3A_73 = vector.shape_cast %reduce_sum3A_72 : vector<512xf32> to vector<512x1xf32>
    %get3A_74 = arith.constant 0 : index
    %get3A_75 = arith.constant 0 : index
    %get3A_76 = vector.load %arg9[%get3A_74, %get3A_75] : memref<1x64xf32, #tpu.memory_space<vmem>>, vector<1x64xf32>
    %add3A_77 = vector.broadcast %get3A_76 : vector<1x64xf32> to vector<512x64xf32>
    %add3A_78 = arith.addf %dot_general3A_64, %add3A_77 : vector<512x64xf32>
    %mul3A_79 = arith.mulf %add3A_78, %convert_element_type3A_51 : vector<512x64xf32>
    %reduce_sum3A_80 = arith.constant dense<0.000000e+00> : vector<512xf32>
    %reduce_sum3A_81 = vector.multi_reduction <add>, %mul3A_79, %reduce_sum3A_80 [1] : vector<512x64xf32> to vector<512xf32>
    %broadcast_in_dim3A_82 = vector.shape_cast %reduce_sum3A_81 : vector<512xf32> to vector<512x1xf32>
    %get3A_83 = arith.constant 0 : index
    %get3A_84 = arith.constant 0 : index
    %get3A_85 = vector.load %arg8[%get3A_83, %get3A_84] : memref<1x64xf32, #tpu.memory_space<vmem>>, vector<1x64xf32>
    %reduce_sum3A_86 = arith.constant dense<0.000000e+00> : vector<64xf32>
    %reduce_sum3A_87 = vector.multi_reduction <add>, %convert_element_type3A_33, %reduce_sum3A_86 [0] : vector<512x64xf32> to vector<64xf32>
    %broadcast_in_dim3A_88 = vector.shape_cast %reduce_sum3A_87 : vector<64xf32> to vector<1x64xf32>
    %add3A_89 = arith.addf %get3A_85, %broadcast_in_dim3A_88 : vector<1x64xf32>
    %swap3A = arith.constant 0 : index
    %swap3A_90 = arith.constant 0 : index
    %swap3A_91 = vector.load %arg8[%swap3A, %swap3A_90] : memref<1x64xf32, #tpu.memory_space<vmem>>, vector<1x64xf32>
    tpu.vector_store %arg8[%swap3A, %swap3A_90], %add3A_89 {strides = array<i32>} : memref<1x64xf32, #tpu.memory_space<vmem>>, vector<1x64xf32>,
    %get3A_92 = arith.constant 0 : index
    %get3A_93 = arith.constant 0 : index
    %get3A_94 = vector.load %arg9[%get3A_92, %get3A_93] : memref<1x64xf32, #tpu.memory_space<vmem>>, vector<1x64xf32>
    %reduce_sum3A_95 = arith.constant dense<0.000000e+00> : vector<64xf32>
    %reduce_sum3A_96 = vector.multi_reduction <add>, %convert_element_type3A_51, %reduce_sum3A_95 [0] : vector<512x64xf32> to vector<64xf32>
    %broadcast_in_dim3A_97 = vector.shape_cast %reduce_sum3A_96 : vector<64xf32> to vector<1x64xf32>
    %add3A_98 = arith.addf %get3A_94, %broadcast_in_dim3A_97 : vector<1x64xf32>
    %swap3A_99 = arith.constant 0 : index
    %swap3A_100 = arith.constant 0 : index
    %swap3A_101 = vector.load %arg9[%swap3A_99, %swap3A_100] : memref<1x64xf32, #tpu.memory_space<vmem>>, vector<1x64xf32>
    tpu.vector_store %arg9[%swap3A_99, %swap3A_100], %add3A_98 {strides = array<i32>} : memref<1x64xf32, #tpu.memory_space<vmem>>, vector<1x64xf32>,
    %get3A_102 = arith.constant 0 : index
    %get3A_103 = arith.constant 0 : index
    %get3A_104 = vector.load %arg10[%get3A_102, %get3A_103] : memref<1x64xf32, #tpu.memory_space<vmem>>, vector<1x64xf32>
    %reduce_sum3A_105 = arith.constant dense<0.000000e+00> : vector<64xf32>
    %reduce_sum3A_106 = vector.multi_reduction <add>, %div3A_21, %reduce_sum3A_105 [0] : vector<512x64xf32> to vector<64xf32>
    %broadcast_in_dim3A_107 = vector.shape_cast %reduce_sum3A_106 : vector<64xf32> to vector<1x64xf32>
    %add3A_108 = arith.addf %get3A_104, %broadcast_in_dim3A_107 : vector<1x64xf32>
    %swap3A_109 = arith.constant 0 : index
    %swap3A_110 = arith.constant 0 : index
    %swap3A_111 = vector.load %arg10[%swap3A_109, %swap3A_110] : memref<1x64xf32, #tpu.memory_space<vmem>>, vector<1x64xf32>
    tpu.vector_store %arg10[%swap3A_109, %swap3A_110], %add3A_108 {strides = array<i32>} : memref<1x64xf32, #tpu.memory_space<vmem>>, vector<1x64xf32>,
    %get3A_112 = arith.constant 0 : index
    %get3A_113 = arith.constant 0 : index
    %get3A_114 = vector.load %arg11[%get3A_112, %get3A_113] : memref<1x1xf32, #tpu.memory_space<vmem>>, vector<1x1xf32>
    %log3A = math.log %broadcast_in_dim3A_20 : vector<512x1xf32>
    %add3A_115 = arith.addf %broadcast_in_dim3A, %log3A : vector<512x1xf32>
    %reduce_sum3A_116 = arith.constant dense<0.000000e+00> : vector<1xf32>
    %reduce_sum3A_117 = vector.multi_reduction <add>, %add3A_115, %reduce_sum3A_116 [0] : vector<512x1xf32> to vector<1xf32>
    %broadcast_in_dim3A_118 = vector.shape_cast %reduce_sum3A_117 : vector<1xf32> to vector<1x1xf32>
    %add3A_119 = arith.addf %get3A_114, %broadcast_in_dim3A_118 : vector<1x1xf32>
    %swap3A_120 = arith.constant 0 : index
    %swap3A_121 = arith.constant 0 : index
    %swap3A_122 = vector.load %arg11[%swap3A_120, %swap3A_121] : memref<1x1xf32, #tpu.memory_space<vmem>>, vector<1x1xf32>
    tpu.vector_store %arg11[%swap3A_120, %swap3A_121], %add3A_119 {strides = array<i32>} : memref<1x1xf32, #tpu.memory_space<vmem>>, vector<1x1xf32>,
    %lt3A_123 = arith.constant 4.000000e+01 : f32
    %lt3A_124 = vector.broadcast %lt3A_123 : f32 to vector<512x1xf32>
    %lt3A_125 = arith.cmpf olt, %broadcast_in_dim3A_73, %lt3A_124 : vector<512x1xf32>
    %convert_element_type3A_126 = arith.sitofp %broadcast_in_dim3A_29 : vector<512x1xi32> to vector<512x1xf32>
    %mul3A_127 = arith.constant 4.000000e+01 : f32
    %mul3A_128 = vector.broadcast %mul3A_127 : f32 to vector<512x1xf32>
    %mul3A_129 = arith.mulf %convert_element_type3A_126, %mul3A_128 : vector<512x1xf32>
    %add3A_130 = arith.addf %mul3A_129, %broadcast_in_dim3A_73 : vector<512x1xf32>
    %jit3A_131 = arith.constant -1.000000e+00 : f32
    %broadcast_in_dim3A_132 = vector.broadcast %jit3A_131 : f32 to vector<512x1xf32>
    %select_n3A_133 = arith.select %lt3A_125, %add3A_130, %broadcast_in_dim3A_132 : vector<512x1xi1>, vector<512x1xf32>
    %broadcast_in_dim3A_134 = arith.constant 0.000000e+00 : f32
    %broadcast_in_dim3A_135 = vector.broadcast %broadcast_in_dim3A_134 : f32 to vector<512x1xf32>
    %convert_element_type3A_136 = arith.sitofp %broadcast_in_dim3A_47 : vector<512x1xi32> to vector<512x1xf32>
    %concatenate3A = tpu.concatenate %div3A_55, %div3A_56, %select_n3A_133, %convert_element_type3A_136, %broadcast_in_dim3A_82, %broadcast_in_dim3A_135, %broadcast_in_dim3A_135, %broadcast_in_dim3A_135 in 1 : vector<512x1xf32>, vector<512x1xf32>, vector<512x1xf32>, vector<512x1xf32>, vector<512x1xf32>, vector<512x1xf32>, vector<512x1xf32>, vector<512x1xf32> -> vector<512x8xf32>
    %swap3A_137 = arith.constant 0 : index
    %swap3A_138 = arith.constant 0 : index
    %swap3A_139 = arith.constant 0 : index
    %swap3A_140 = vector.load %arg4[%swap3A_137, %swap3A_138, %swap3A_139] : memref<1x512x8xf32, #tpu.memory_space<vmem>>, vector<1x512x8xf32>
    %swap3A_141 = vector.shape_cast %swap3A_140 : vector<1x512x8xf32> to vector<512x8xf32>
    %swap3A_142 = vector.shape_cast %concatenate3A : vector<512x8xf32> to vector<1x512x8xf32>
    tpu.vector_store %arg4[%swap3A_137, %swap3A_138, %swap3A_139], %swap3A_142 {strides = array<i32>} : memref<1x512x8xf32, #tpu.memory_space<vmem>>, vector<1x512x8xf32>,
    %eq3A_143 = arith.constant 3 : i32
    %eq3A_144 = arith.cmpi eq, %arg1, %eq3A_143 : i32
    %convert_element_type3A_145 = arith.extui %eq3A_144 : i1 to i32
    %cond3A_146 = arith.constant 0 : i32
    %cond3A_147 = arith.cmpi ne, %convert_element_type3A_145, %cond3A_146 : i32
    scf.if %cond3A_147 {
      %get3A_148 = arith.constant 0 : index
      %get3A_149 = arith.constant 0 : index
      %get3A_150 = vector.load %arg8[%get3A_148, %get3A_149] : memref<1x64xf32, #tpu.memory_space<vmem>>, vector<1x64xf32>
      %broadcast_in_dim3A_151 = vector.shape_cast %get3A_150 : vector<1x64xf32> to vector<1x64xf32>
      %broadcast_in_dim3A_152 = vector.broadcast %broadcast_in_dim3A_151 : vector<1x64xf32> to vector<8x64xf32>
      %swap3A_153 = arith.constant 0 : index
      %swap3A_154 = arith.constant 0 : index
      %swap3A_155 = arith.constant 0 : index
      %swap3A_156 = vector.load %arg5[%swap3A_153, %swap3A_154, %swap3A_155] : memref<1x8x64xf32, #tpu.memory_space<vmem>>, vector<1x8x64xf32>
      %swap3A_157 = vector.shape_cast %swap3A_156 : vector<1x8x64xf32> to vector<8x64xf32>
      %swap3A_158 = vector.shape_cast %broadcast_in_dim3A_152 : vector<8x64xf32> to vector<1x8x64xf32>
      tpu.vector_store %arg5[%swap3A_153, %swap3A_154, %swap3A_155], %swap3A_158 {strides = array<i32>} : memref<1x8x64xf32, #tpu.memory_space<vmem>>, vector<1x8x64xf32>,
      %get3A_159 = arith.constant 0 : index
      %get3A_160 = arith.constant 0 : index
      %get3A_161 = vector.load %arg6[%get3A_159, %get3A_160] : memref<1x1xf32, #tpu.memory_space<vmem>>, vector<1x1xf32>
      %get3A_162 = arith.constant 0 : index
      %get3A_163 = arith.constant 0 : index
      %get3A_164 = vector.load %arg10[%get3A_162, %get3A_163] : memref<1x64xf32, #tpu.memory_space<vmem>>, vector<1x64xf32>
      %get3A_165 = arith.constant 0 : index
      %get3A_166 = arith.constant 0 : index
      %get3A_167 = vector.load %arg8[%get3A_165, %get3A_166] : memref<1x64xf32, #tpu.memory_space<vmem>>, vector<1x64xf32>
      %mul3A_168 = arith.mulf %get3A_164, %get3A_167 : vector<1x64xf32>
      %reduce_sum3A_169 = arith.constant dense<0.000000e+00> : vector<1xf32>
      %reduce_sum3A_170 = vector.multi_reduction <add>, %mul3A_168, %reduce_sum3A_169 [1] : vector<1x64xf32> to vector<1xf32>
      %broadcast_in_dim3A_171 = vector.shape_cast %reduce_sum3A_170 : vector<1xf32> to vector<1x1xf32>
      %mul3A_172 = arith.constant 3.81469727E-6 : f32
      %mul3A_173 = vector.broadcast %mul3A_172 : f32 to vector<1x1xf32>
      %mul3A_174 = arith.mulf %broadcast_in_dim3A_171, %mul3A_173 : vector<1x1xf32>
      %add3A_175 = arith.addf %get3A_161, %mul3A_174 : vector<1x1xf32>
      %swap3A_176 = arith.constant 0 : index
      %swap3A_177 = arith.constant 0 : index
      %swap3A_178 = vector.load %arg6[%swap3A_176, %swap3A_177] : memref<1x1xf32, #tpu.memory_space<vmem>>, vector<1x1xf32>
      tpu.vector_store %arg6[%swap3A_176, %swap3A_177], %add3A_175 {strides = array<i32>} : memref<1x1xf32, #tpu.memory_space<vmem>>, vector<1x1xf32>,
      %get3A_179 = arith.constant 0 : index
      %get3A_180 = arith.constant 0 : index
      %get3A_181 = vector.load %arg7[%get3A_179, %get3A_180] : memref<1x1xf32, #tpu.memory_space<vmem>>, vector<1x1xf32>
      %get3A_182 = arith.constant 0 : index
      %get3A_183 = arith.constant 0 : index
      %get3A_184 = vector.load %arg11[%get3A_182, %get3A_183] : memref<1x1xf32, #tpu.memory_space<vmem>>, vector<1x1xf32>
      %mul3A_185 = arith.constant 2.500000e-01 : f32
      %mul3A_186 = vector.broadcast %mul3A_185 : f32 to vector<1x1xf32>
      %mul3A_187 = arith.mulf %get3A_184, %mul3A_186 : vector<1x1xf32>
      %add3A_188 = arith.addf %get3A_181, %mul3A_187 : vector<1x1xf32>
      %swap3A_189 = arith.constant 0 : index
      %swap3A_190 = arith.constant 0 : index
      %swap3A_191 = vector.load %arg7[%swap3A_189, %swap3A_190] : memref<1x1xf32, #tpu.memory_space<vmem>>, vector<1x1xf32>
      tpu.vector_store %arg7[%swap3A_189, %swap3A_190], %add3A_188 {strides = array<i32>} : memref<1x1xf32, #tpu.memory_space<vmem>>, vector<1x1xf32>,
    } else {
    }
    return
  }
  func.func @transform_0(%arg0: i32, %arg1: i32) -> (i32, i32, i32) {
    %c0_i32 = arith.constant 0 : i32
    %c0_i32_0 = arith.constant 0 : i32
    return %arg0, %arg1, %c0_i32 : i32, i32, i32
  }
  func.func @transform_1(%arg0: i32, %arg1: i32) -> (i32, i32) {
    %c0_i32 = arith.constant 0 : i32
    %c0_i32_0 = arith.constant 0 : i32
    %c0_i32_1 = arith.constant 0 : i32
    return %c0_i32, %c0_i32_0 : i32, i32
  }
  func.func @transform_2(%arg0: i32, %arg1: i32) -> (i32, i32, i32) {
    %c0_i32 = arith.constant 0 : i32
    %c0_i32_0 = arith.constant 0 : i32
    return %arg0, %arg1, %c0_i32 : i32, i32, i32
  }
  func.func @transform_3(%arg0: i32, %arg1: i32) -> (i32, i32, i32) {
    %c0_i32 = arith.constant 0 : i32
    %c0_i32_0 = arith.constant 0 : i32
    %c0_i32_1 = arith.constant 0 : i32
    return %arg0, %c0_i32, %c0_i32_0 : i32, i32, i32
  }
  func.func @transform_4(%arg0: i32, %arg1: i32) -> (i32, i32) {
    %c0_i32 = arith.constant 0 : i32
    %c0_i32_0 = arith.constant 0 : i32
    %c0_i32_1 = arith.constant 0 : i32
    return %c0_i32, %c0_i32_0 : i32, i32
  }
  func.func @transform_5(%arg0: i32, %arg1: i32) -> (i32, i32) {
    %c0_i32 = arith.constant 0 : i32
    %c0_i32_0 = arith.constant 0 : i32
    %c0_i32_1 = arith.constant 0 : i32
    return %c0_i32, %c0_i32_0 : i32, i32
  }
}

</mosaic_0001>

<sc_bundles>
// kernel: kernel.4.cloned.1.call-start
scs
__scs_entry_jumppad:
0x0: {  	(pc) =	sbr.rel $0x88, $3  }
0x1: {  	(tag) =	ssettag $0x0;
	lr =	simm.s32 $0x1  }
0x2: {  	[smem:$0x3F9F] =	sst lr;
	_ =	strace $0xD0000000  }
0x3: {  	_ = 	snop  }
0x4: {  	_ = 	snop  }
0x5: {  	_ = 	snop  }
0x6: {  	_ = 	snop  }
0x7: {  	_ = 	snop  }
__scs_overlays_trampoline_lowered:
0x8: {  	[smem:$0x3FAE] =	sst s0  }
0x9: {  	[smem:$0x3FAF] =	sst s1  }
0xa: {  	[smem:$0x3FB0] =	sst s2  }
0xb: {  	[smem:$0x3FB1] =	sst s3  }
0xc: {  	[smem:$0x3FB2] =	sst s4  }
0xd: {  	[smem:$0x3FB3] =	sst s5  }
0xe: {  	[smem:$0x3FB4] =	sst s6  }
0xf: {  	[smem:$0x3FB5] =	sst s7  }
0x10: {  	[smem:$0x3FB6] =	sst s8  }
0x11: {  	[smem:$0x3FB7] =	sst s9;
	s0 =	simm.s32 @!p0 $0x0  }
0x12: {  	s1 =	sld [smem:$0x3F9D];
	s0 =	simm.s32 @p0 $0x1  }
0x13: {  	[smem:$0x3FB8] =	sst s0;
	s0 =	simm.s32 @!p1 $0x0  }
0x14: {  	s2 =	sld [smem:$0x3F9C];
	s0 =	simm.s32 @p1 $0x1  }
0x15: {  	[smem:$0x3FB9] =	sst s0;
	s0 =	simm.s32 @!p2 $0x0  }
0x16: {  	s3 =	sld [smem:$0x3FDB];
	s0 =	simm.s32 @p2 $0x1  }
0x17: {  	s4 =	simm.s32 $0x1BF5;
	[smem:$0x3FBB] =	sst s0  }
0x18: {  	s0 =	sld [smem:$0x3F9E];
	_ =	swait.ge [sflag:s4], $0x0  }
0x19: {  	s7 =	sld [smem:$0x3F9F]  }
0x1a: {  	s8 =	sadd.s32 $0xFFFFE003, lr  }
0x1b: {  	s9 =	sadd.s32 $0xFFFFFEF7, lr;
	s5 =	simm.s32 $0xFFFFFFFF;
	p2 =	slt.u32 s8, $0xFFFFF086  }
0x1c: {  	p1 =	slt.u32 s9, $0xF7A;
	s5 =	simm.s32 @!p2 $0x0  }
0x1d: {  	s5 =	simm.s32 @p1 $0x1;
	p0 =	seq.s32 s7, s2  }
0x1e: {  	s7 =	smul.u32 @!p0 $0xF7A, s2;
	p2 =	seq.s32 @!p0 s5, $0x0  }
0x1f: {  	s9 =	smul.u32 $0xF7A, s1;
	s8 =	simm.s32 @!p0 $0x1BF5;
	p2 =	por !p2, p0  }
0x20: {  	[sflag:s8] =	ssyncset.s32 @!p0 $0xFFFFF086;
	s6 =	sadd.s32 @!p0 s3, s7;
	s7 =	simm.s32 @!p0 $0x108  }
0x21: {  	s3 =	sadd.s32 s3, s9;
	s6 =	sadd.s32 @!p0 $0x88, s6;
	s7 =	simm.s32 @p2 $0x1082  }
0x22: {  	[simem:s7], [sflag:s8] =	dma.local @!p0 [hbm:s6], $0xF7A  }
0x23: {  	s9 =	sor.u32 $0xD0000000, s2;
	s6 =	simm.s32 $0x108;
	_ =	swait.ge @!p0 [sflag:s8], $0x0  }
0x24: {  	s3 =	sadd.s32 $0x88, s3;
	s6 =	simm.s32 @!p1 $0x1082;
	[sflag:s4] =	ssyncset.s32 $0xFFFFF086  }
0x25: {  	[simem:s6], [sflag:s4] =	dma.local [hbm:s3], $0xF7A  }
0x26: {  	[smem:$0x3F9F] =	sst s1;
	(tag) =	ssettag s2;
	_ =	strace s9  }
0x27: {  	s1 =	sld [smem:$0x3FAF]  }
0x28: {  	s2 =	sld [smem:$0x3FB0]  }
0x29: {  	s4 =	sld [smem:$0x3FB2]  }
0x2a: {  	p0 =	seq.s32 s5, $0x0;
	s5 =	sld [smem:$0x3FB3]  }
0x2b: {  	s6 =	sld [smem:$0x3FB4]  }
0x2c: {  	s7 =	sld [smem:$0x3FB5]  }
0x2d: {  	s3 =	simm.s32 $0x108;
	s8 =	sld [smem:$0x3FB6]  }
0x2e: {  	s3 =	simm.s32 @!p0 $0x1082;
	s9 =	sld [smem:$0x3FB7]  }
0x2f: {  	lr =	sadd.s32 s0, s3;
	s0 =	sld [smem:$0x3FAE]  }
0x30: {  	s3 =	sld [smem:$0x3FB1]  }
0x31: {  	[smem:$0x3FBA] =	sst s10  }
0x32: {  	s10 =	sld [smem:$0x3FB8];
	_ =	sdelay $0x3  }
0x33: {  	p0 =	seq.s32 s10, $0x1;
	s10 =	sld [smem:$0x3FBA];
	_ =	sdelay $0x3  }
0x34: {  	[smem:$0x3FBA] =	sst s10  }
0x35: {  	s10 =	sld [smem:$0x3FB9];
	_ =	sdelay $0x3  }
0x36: {  	p1 =	seq.s32 s10, $0x1;
	s10 =	sld [smem:$0x3FBA];
	_ =	sdelay $0x3  }
0x37: {  	[smem:$0x3FBA] =	sst s10  }
0x38: {  	s10 =	sld [smem:$0x3FBB]  }
0x39: {  	_ = 	snop;
	(pc) =	sbr.ind lr, $3  }
0x3a: {  	_ = 	snop  }
0x3b: {  	_ = 	snop  }
0x3c: {  	p2 =	seq.s32 s10, $0x1;
	s10 =	sld [smem:$0x3FBA]  }
0x3d: {  	_ =	shalt  }
0x3e: {  	_ =	shalt  }
0x3f: {  	_ =	shalt  }
0x40: {  	_ =	shalt  }
0x41: {  	_ =	shalt  }
0x42: {  	_ =	shalt  }
0x43: {  	_ =	shalt  }
0x44: {  	_ =	shalt  }
0x45: {  	_ =	shalt  }
0x46: {  	_ =	shalt  }
0x47: {  	_ =	shalt  }
0x48: {  	_ =	shalt  }
0x49: {  	_ =	shalt  }
0x4a: {  	_ =	shalt  }
0x4b: {  	_ =	shalt  }
0x4c: {  	_ =	shalt  }
0x4d: {  	_ =	shalt  }
0x4e: {  	_ =	shalt  }
0x4f: {  	_ =	shalt  }
0x50: {  	_ =	shalt  }
0x51: {  	_ =	shalt  }
0x52: {  	_ =	shalt  }
0x53: {  	_ =	shalt  }
0x54: {  	_ =	shalt  }
0x55: {  	_ =	shalt  }
0x56: {  	_ =	shalt  }
0x57: {  	_ =	shalt  }
0x58: {  	_ =	shalt  }
0x59: {  	_ =	shalt  }
0x5a: {  	_ =	shalt  }
0x5b: {  	_ =	shalt  }
0x5c: {  	_ =	shalt  }
0x5d: {  	_ =	shalt  }
0x5e: {  	_ =	shalt  }
0x5f: {  	_ =	shalt  }
0x60: {  	_ =	shalt  }
0x61: {  	_ =	shalt  }
0x62: {  	_ =	shalt  }
0x63: {  	_ =	shalt  }
0x64: {  	_ =	shalt  }
0x65: {  	_ =	shalt  }
0x66: {  	_ =	shalt  }
0x67: {  	_ =	shalt  }
0x68: {  	_ =	shalt  }
0x69: {  	_ =	shalt  }
0x6a: {  	_ =	shalt  }
0x6b: {  	_ =	shalt  }
0x6c: {  	_ =	shalt  }
0x6d: {  	_ =	shalt  }
0x6e: {  	_ =	shalt  }
0x6f: {  	_ =	shalt  }
0x70: {  	_ =	shalt  }
0x71: {  	_ =	shalt  }
0x72: {  	_ =	shalt  }
0x73: {  	_ =	shalt  }
0x74: {  	_ =	shalt  }
0x75: {  	_ =	shalt  }
0x76: {  	_ =	shalt  }
0x77: {  	_ =	shalt  }
0x78: {  	_ =	shalt  }
0x79: {  	_ =	shalt  }
0x7a: {  	_ =	shalt  }
0x7b: {  	_ =	shalt  }
0x7c: {  	_ =	shalt  }
0x7d: {  	_ =	shalt  }
0x7e: {  	_ =	shalt  }
0x7f: {  	_ =	shalt  }
0x80: {  	_ =	shalt  }
0x81: {  	_ =	shalt  }
0x82: {  	_ =	shalt  }
0x83: {  	_ =	shalt  }
0x84: {  	_ =	shalt  }
0x85: {  	_ =	shalt  }
0x86: {  	_ =	shalt  }
0x87: {  	_ =	shalt  }
.Lfunc_end0:
.L_simem_size_0:
called_computation.2_lowered:
.L_overlay_start_0:
0x88: {  	s2 =	sld [smem:$0x3FD9]  }
0x89: {  	s3 =	sld [smem:$0x3FFE];
	_ =	sdelay $0x1  }
0x8a: {  	s1 =	srdreg.scid  }
0x8b: {  	s0 =	sand.u32 $0x1, s1  }
0x8c: {  	s14 =	sshll.u32 s0, $0xA;
	s2 =	sadd.s32 s3, s2  }
0x8d: {  	s2 =	sadd.s32 s2, s14  }
0x8e: {  	[smem:$0x3FC6] =	sst s2  }
0x8f: {  	_ = 	snop  }
0x90: {  	s2 =	sld [smem:$0x3FD0];
	_ =	sdelay $0x2  }
0x91: {  	s15 =	simm.s32 $0xB;
	s4 =	simm.s32 $0x10  }
0x92: {  	[smem:s4], [sflag:s15] =	dma.local [hbm:s2], $0x1  }
0x93: {  	_ =	swait.eq [sflag:s15], $0x1  }
0x94: {  	[sflag:s15] =	ssyncset.done $0x0  }
0x95: {  	s16 =	sld [smem:$0x10];
	[sflag:s15] =	ssyncadd.s32 $0xFFFFFFFF  }
0x96: {  	s17 =	sld [smem:$0x11];
	(tm) =	ssettm $0x1  }
0x97: {  	s18 =	sld [smem:$0x3FFB];
	_ =	sdelay $0x3  }
0x98: {  	_ =	strace s18  }
0x99: {  	s4 =	sld [smem:$0x3FFC];
	_ =	sdelay $0x3  }
0x9a: {  	_ =	strace s4  }
0x9b: {  	s4 =	sld [smem:$0x3FFD];
	_ =	sdelay $0x3  }
0x9c: {  	_ =	strace s4  }
0x9d: {  	_ =	strace $0x8FFFFFFF  }
0x9e: {  	s19 =	sld [smem:$0x3FDB];
	_ =	sdelay $0x1  }
0x9f: {  	s5 =	simm.s32 $_scs_section_size  }
0xa0: {  	s6 =	simm.s32 $_size__tile_overlayer_lowered;
	s7 =	simm.s32 $_tile_overlayer_lowered  }
0xa1: {  	s22 =	simm.s32 $0x1BFF;
	s21 =	sshll.u32 s7, $0x1;
	s4 =	sadd.s32 s5, s19  }
0xa2: {  	s8 =	simm.s32 $0x0;
	s20 =	sshll.u32 s6, $0x1;
	s6 =	sadd.s32 s21, s4  }
0xa3: {  	[timem:s8], [sflag:s22] =	dma.local [hbm:s6], s20  }
0xa4: {  	_ =	swait.ge [sflag:s22], s20  }
0xa5: {  	s5 =	ssub.s32 $0x0, s20;
	[sflag:s22] =	ssyncset.done $0x0  }
0xa6: {  	[sflag:s22] =	ssyncadd.s32 s5;
	_ =	sdelay $0x1  }
0xa7: {  	s23 =	simm.s32 $0x1B8B  }
0xa8: {  	_ =	swait.ge [sflag:s23], $0x1  }
0xa9: {  	[sflag:s23] =	ssyncset.done $0x0  }
0xaa: {  	s25 =	simm.s32 $0x1B8E;
	s24 =	sld [smem:$0x3FFE];
	[sflag:s23] =	ssyncadd.s32 $0xFFFFFFFF  }
0xab: {  	s26 =	simm.s32 $execute0_lowered;
	[smem:$0x3FD2] =	sst s25  }
0xac: {  	s6 =	sshll.u32 s26, $0x1;
	_ =	strace $0x80000046;
	[dreg:$0x1] =	wrdreg $0xFFFFFFFF  }
0xad: {  	s28 =	simm.s32 $_size_execute0_lowered;
	s4 =	sadd.s32 s4, s6;
	[dreg:$0x0] =	wrdreg $0x0  }
0xae: {  	s6 =	sshll.u32 s28, $0x1;
	[dreg:$0x2] =	wrdreg s4  }
0xaf: {  	[dreg:$0x3] =	wrdreg s6  }
0xb0: {  	[dreg:$0x4] =	wrdreg $0xC0  }
0xb1: {  	_ =	task [dreg:s8], $0x5FFFF  }
0xb2: {  	[dreg:$0x1] =	wrdreg $0xFFFFFFFF  }
0xb3: {  	[dreg:$0x0] =	wrdreg $0x60  }
0xb4: {  	[dreg:$0x2] =	wrdreg s24  }
0xb5: {  	[dreg:$0x3] =	wrdreg s17  }
0xb6: {  	[dreg:$0x4] =	wrdreg s16  }
0xb7: {  	[dreg:$0x5] =	wrdreg $0x9  }
0xb8: {  	_ =	task.clear_ibuf [dreg:s8], $0x6FFFF;
	_ =	strace $0x90000046  }
0xb9: {  	s29 =	simm.s32 $0x9;
	_ =	strace $0x80000048  }
0xba: {  	_ =	swait.ge [sflag:s29], $0x1  }
0xbb: {  	[sflag:s29] =	ssyncadd.s32 $0xFFFFFFFF  }
0xbc: {  	_ =	strace $0x90000048  }
0xbd: {  	_ =	sfence  }
0xbe: {  	s30 =	sld [smem:$0x0];
	_ =	sdelay $0x2  }
0xbf: {  	s31 =	sshll.u32 s1, $0xD;
	s1 =	sshrl.u32 s1, $0x2  }
0xc0: {  	s3 =	sand.u32 $0x4000, s31;
	s1 =	sadd.s32 s1, s30  }
0xc1: {  	s0 =	sor.u32 s3, s0;
	s1 =	sshll.u32 s1, $0x11  }
0xc2: {  	s0 =	sor.u32 s1, s0  }
0xc3: {  	s0 =	sadd.s32 $0x8F2B, s0  }
0xc4: {  	[sflag:s0] =	ssyncadd.remote.s32 $0x1  }
0xc5: {  	_ =	sfence.sel $0xFFFF  }
0xc6: {  	[dreg:$0x0] =	wrdreg $0xFFFFFFFF;
	(pc) =	sbr.abs _section_cstart, $3  }
0xc7: {  	[dreg:$0x1] =	wrdreg $0xFFFFFFFF  }
0xc8: {  	_ =	task.clear_ibuf [dreg:s8], $0x2FFFF;
	_ =	strace $0x9FFFFFFF  }
0xc9: {  	(tm) =	ssettm $0x7FFFFFFF  }
tec
execute0_lowered:
.L_overlay_start_1:
0x0: {  	(tag) =	ssettag $0x1  }
0x1: {  	s3 =	rddreg [dreg:$0x0]  }
0x2: {  	s6 =	rddreg [dreg:$0x1]  }
0x3: {  	s7 =	rddreg [dreg:$0x2]  }
0x4: {  	s0 =	rddreg [dreg:$0x3];
	s2 =	simm.s32 $0x0;
	s4 =	srdreg.scid  }
0x5: {  	s1 =	stileid.u32;
	s11 =	simm.s32 $0x0;
	[smem:$0x7FF] =	sst s2  }
0x6: {  	s5 =	sand.u32 $0x1, s4;
	s28 =	sshll.u32 s1, $0x9;
	s29 =	sshll.u32 s1, $0x4  }
0x7: {  	s30 =	smul.u32 $0x28000, s1;
	_ =	strace $0x80000047;
	s8 =	sshll.u32 s5, $0x8  }
0x8: {  	s9 =	ssub.s32 $0x2, s5;
	s31 =	smul.u32 $0x14000, s5;
	s4 =	sor.u32 s8, s28  }
0x9: {  	s8 =	sand.u32 $0xC0, s29;
	s10 =	sshrl.u32 s9, $0x1;
	s6 =	sadd.s32 s30, s6  }
0xa: {  	s7 =	sadd.s32 s30, s7;
	s4 =	sadd.s32 s4, s3;
	s8 =	sadd.s32 s8, s3  }
0xb: {  	s9 =	ssub.s32 s9, s10;
	s6 =	sadd.s32 s31, s6;
	s7 =	sadd.s32 s31, s7  }
0xc: {  	v0 =	vimm.f32 $0.0e+00;
	v2 =	vlaneseq.u32;
	s10 =	simm.s32 $0x880;
	s3 =	sadd.s32 $0x1200, s4;
	s4 =	sadd.s32 $0x3200, s8  }
0xd: {  	v3 =	vimm.f32 $1.000000000e+00;
	v1 =	vmul.u32 $0x8, v2;
	v2 =	vmul.u32 $0xA00, v2;
	s5 =	smax.u32 s9, $0x1;
	s8 =	simm.s32 $0x1;
	s9 =	simm.s32 $0x800  }
.LBB2_1:
0xe: {  	[tilespmem:s2], [sflag:$0x1] =	stream.linear.gather [hbm4b:s3+s2], $0x800, $0x38;
	[tilespmem:$0xA880] =	vst v63  }
0xf: {  	_ =	swait.ge [sflag:s8], $0x800  }
0x10: {  	[sflag:s8] =	ssyncset.done $0x0  }
0x11: {  	[sflag:s8] =	ssyncadd.s32 $0xFFFFF800  }
0x12: {  	[tilespmem:s9], [sflag:$0x1] =	stream.linear.gather [hbm4b:s4+s2], $0x40, $0x38;
	[tilespmem:$0xA880] =	vst v63  }
0x13: {  	_ =	swait.ge [sflag:s8], $0x40  }
0x14: {  	[sflag:s8] =	ssyncset.done $0x0  }
0x15: {  	s12 =	simm.s32 $0x0;
	[sflag:s8] =	ssyncadd.s32 $0xFFFFFFC0  }
.LBB2_2:
0x16: {  	p0 =	sne.s32 s12, $0x27FC0  }
.Ltmp0:
0x17: {  	_ = 	snop;
	(pc) =	sbr.rel @p0 .LBB2_2-.Ltmp0, $3  }
0x18: {  	_ =	sdelay $0x1  }
0x19: {  	s13 =	sshra.s32 s12, $0x2  }
0x1a: {  	s12 =	sadd.s32 $0x40, s12;
	[tilespmem:s13+$0x880] =	vst v0  }
0x1b: {  	s12 =	simm.s32 $0x0  }
0x1c: {  	v4 =	vmov s12  }
0x1d: {  	v4 =	vshll.u32 v4, $0x3  }
0x1e: {  	v4 =	vor.u32 v1, v4  }
0x1f: {  	v5 =	vor.u32 $0x3, v4;
	_ =	sdelay $0x4  }
0x20: {  	v5 =	vld.idx.msk [tilespmem:v5+s2+$0x0], $0xffff;
	_ =	sdelay $0x4  }
0x21: {  	v5 =	vtrunc.f32 v5  }
0x22: {  	v5 =	vcvt.f32.s32 v5;
	_ =	sdelay $0x1  }
0x23: {  	v6 =	vor.u32 $0x4, v4  }
0x24: {  	v7 =	vor.u32 $0x2, v4;
	_ =	sdelay $0x2  }
0x25: {  	v8 =	vld.idx.msk [tilespmem:v5+s9+$0x0], $0xffff  }
0x26: {  	v6 =	vld.idx.msk [tilespmem:v6+s2+$0x0], $0xffff  }
0x27: {  	v7 =	vld.idx.msk [tilespmem:v7+s2+$0x0], $0xffff;
	_ =	sdelay $0x2  }
0x28: {  	v8 =	vmin.f32 v8, $4.000000000e+01  }
0x29: {  	v9 =	vor.u32 $0x1, v4;
	v6 =	vadd.f32 v8, v6  }
0x2a: {  	v7 =	vtrunc.f32 v7  }
0x2b: {  	v7 =	vcvt.f32.s32 v7;
	v8 =	vtrunc.f32 v6  }
0x2c: {  	v5 =	vmul.u32 $0x28, v5;
	v8 =	vcvt.f32.s32 v8  }
0x2d: {  	v4 =	vld.idx.msk [tilespmem:v4+s2+$0x0], $0xffff;
	vm0 =	vgt.s32 v7, $0x0  }
0x2e: {  	v9 =	vld.idx.msk [tilespmem:v9+s2+$0x0], $0xffff;
	vm1 =	vgt.s32 v7, $0xFFFFFFFF;
	v7 =	vnsel vm0, $0x0, v7;
	v5 =	vadd.s32 v8, v5  }
0x2f: {  	v10 =	vadd.s32 v2, v7;
	vm0 =	vlt.f32 v6, $4.000000000e+01;
	v5 =	vadd.s32 v2, v5  }
0x30: {  	v5 =	vsel vm0, v5, v2;
	_ =	sdelay $0x1  }
0x31: {  	vm2 =	vlt.f32 v4, $0.0e+00;
	vm3 =	vgt.f32 v4, $0.0e+00  }
0x32: {  	vm2 =	vmor vm3, vm2;
	vm3 =	vlt.f32 v9, $0.0e+00;
	vm4 =	vgt.f32 v9, $0.0e+00  }
0x33: {  	vm3 =	vmor vm4, vm3;
	vm2 =	vmand vm2, vm1;
	[tilespmem:v10+s10+$0x0] =	vst.idx.msk vm1, v4  }
0x34: {  	vm3 =	vmand vm3, vm0;
	[tilespmem:v5+s10+$0x0] =	vst.idx.msk vm0, v9  }
0x35: {  	[hbm4b:s6+s2] =	stream.linear.scatter [tilespmem:s10], [sflag:$0x1], $0xA000, $0x38;
	[tilespmem:$0xA880] =	vst v63  }
0x36: {  	_ =	swait.ge [sflag:s8], $0xA000  }
0x37: {  	[sflag:s8] =	ssyncset.done $0x0  }
0x38: {  	[sflag:s8] =	ssyncadd.s32 $0xFFFF6000  }
0x39: {  	[tilespmem:v10+s10+$0x0] =	vst.idx.msk vm2, v3  }
0x3a: {  	s31 =	simm.s32 $0x10;
	[tilespmem:v5+s10+$0x0] =	vst.idx.msk vm3, v3  }
0x3b: {  	v4 =	vmov s31;
	[hbm4b:s7+s2] =	stream.linear.scatter [tilespmem:s10], [sflag:$0x1], $0xA000, $0x38;
	[tilespmem:$0xA880] =	vst v63  }
0x3c: {  	v4 =	vshll.u32 v4, $0x3;
	_ =	swait.ge [sflag:s8], $0xA000  }
0x3d: {  	v4 =	vor.u32 v1, v4;
	[sflag:s8] =	ssyncset.done $0x0  }
0x3e: {  	v9 =	vor.u32 $0x3, v4;
	[sflag:s8] =	ssyncadd.s32 $0xFFFF6000  }
0x3f: {  	s16 =	simm.s32 $0x20;
	s13 =	smov.u32 s6;
	s12 =	smov.u32 s7;
	v7 =	vor.u32 $0x2, v4;
	v6 =	vor.u32 $0x1, v4;
	v8 =	vor.u32 $0x4, v4;
	[tilespmem:v10+s10+$0x0] =	vst.idx.msk vm1, v0  }
.LBB2_4:
0x40: {  	s13 =	sadd.s32 $0x1400, s13  }
0x41: {  	[tilespmem:v5+s10+$0x0] =	vst.idx.msk vm0, v0;
	s12 =	sadd.s32 $0x1400, s12;
	s15 =	smov.u32 s16;
	s14 =	sadd.s32 $0x10, s16  }
0x42: {  	p0 =	sne.s32 s16, $0xF0  }
0x43: {  	v5 =	vld.idx.msk [tilespmem:v9+s2+$0x0], $0xffff;
	_ =	sdelay $0x5  }
0x44: {  	v5 =	vtrunc.f32 v5  }
0x45: {  	v5 =	vcvt.f32.s32 v5;
	_ =	sdelay $0x5  }
0x46: {  	v9 =	vld.idx.msk [tilespmem:v5+s9+$0x0], $0xffff  }
0x47: {  	v8 =	vld.idx.msk [tilespmem:v8+s2+$0x0], $0xffff  }
0x48: {  	v7 =	vld.idx.msk [tilespmem:v7+s2+$0x0], $0xffff;
	_ =	sdelay $0x3  }
0x49: {  	v9 =	vmin.f32 v9, $4.000000000e+01  }
0x4a: {  	v8 =	vadd.f32 v9, v8  }
0x4b: {  	v7 =	vtrunc.f32 v7  }
0x4c: {  	v7 =	vcvt.f32.s32 v7;
	v9 =	vtrunc.f32 v8  }
0x4d: {  	v5 =	vmul.u32 $0x28, v5;
	v9 =	vcvt.f32.s32 v9;
	v4 =	vld.idx.msk [tilespmem:v4+s2+$0x0], $0xffff  }
0x4e: {  	vm0 =	vgt.s32 v7, $0x0;
	v6 =	vld.idx.msk [tilespmem:v6+s2+$0x0], $0xffff  }
0x4f: {  	vm1 =	vgt.s32 v7, $0xFFFFFFFF;
	v7 =	vnsel vm0, $0x0, v7;
	v5 =	vadd.s32 v9, v5  }
0x50: {  	vm0 =	vlt.f32 v8, $4.000000000e+01;
	v10 =	vadd.s32 v2, v7;
	v5 =	vadd.s32 v2, v5  }
0x51: {  	v5 =	vsel vm0, v5, v2;
	_ =	sdelay $0x1  }
0x52: {  	vm2 =	vlt.f32 v4, $0.0e+00;
	vm3 =	vgt.f32 v4, $0.0e+00  }
0x53: {  	vm2 =	vmor vm3, vm2;
	vm3 =	vlt.f32 v6, $0.0e+00;
	vm4 =	vgt.f32 v6, $0.0e+00  }
0x54: {  	vm2 =	vmand vm2, vm1;
	vm3 =	vmor vm4, vm3;
	[tilespmem:v10+s10+$0x0] =	vst.idx.msk vm1, v4  }
0x55: {  	vm3 =	vmand vm3, vm0;
	[tilespmem:v5+s10+$0x0] =	vst.idx.msk vm0, v6  }
0x56: {  	[hbm4b:s13+s2] =	stream.linear.scatter [tilespmem:s10], [sflag:$0x1], $0xA000, $0x38;
	[tilespmem:$0xA880] =	vst v63  }
0x57: {  	_ =	swait.ge [sflag:s8], $0xA000  }
0x58: {  	[sflag:s8] =	ssyncset.done $0x0  }
0x59: {  	[sflag:s8] =	ssyncadd.s32 $0xFFFF6000  }
0x5a: {  	[tilespmem:v10+s10+$0x0] =	vst.idx.msk vm2, v3  }
0x5b: {  	v4 =	vmov s15;
	[tilespmem:v5+s10+$0x0] =	vst.idx.msk vm3, v3  }
0x5c: {  	[hbm4b:s12+s2] =	stream.linear.scatter [tilespmem:s10], [sflag:$0x1], $0xA000, $0x38;
	[tilespmem:$0xA880] =	vst v63  }
.Ltmp1:
0x5d: {  	v4 =	vshll.u32 v4, $0x3;
	(pc) =	sbr.rel @p0 .LBB2_4-.Ltmp1, $4  }
0x5e: {  	v4 =	vor.u32 v1, v4;
	_ =	swait.ge [sflag:s8], $0xA000  }
0x5f: {  	v7 =	vor.u32 $0x2, v4;
	v9 =	vor.u32 $0x3, v4;
	v8 =	vor.u32 $0x4, v4;
	[sflag:s8] =	ssyncset.done $0x0  }
0x60: {  	v6 =	vor.u32 $0x1, v4;
	[sflag:s8] =	ssyncadd.s32 $0xFFFF6000  }
0x61: {  	s16 =	smov.u32 s14;
	[tilespmem:v10+s10+$0x0] =	vst.idx.msk vm1, v0  }
0x62: {  	_ =	sdelay $0x4  }
0x63: {  	[tilespmem:v5+s10+$0x0] =	vst.idx.msk vm0, v0  }
0x64: {  	v5 =	vld.idx.msk [tilespmem:v9+s2+$0x0], $0xffff;
	_ =	sdelay $0x4  }
0x65: {  	v5 =	vtrunc.f32 v5  }
0x66: {  	v5 =	vcvt.f32.s32 v5;
	_ =	sdelay $0x5  }
0x67: {  	v63 =	vld.idx.msk [tilespmem:v5+s9+$0x0], $0xffff  }
0x68: {  	v8 =	vld.idx.msk [tilespmem:v8+s2+$0x0], $0xffff  }
0x69: {  	v7 =	vld.idx.msk [tilespmem:v7+s2+$0x0], $0xffff;
	_ =	sdelay $0x2  }
0x6a: {  	v9 =	vmin.f32 v63, $4.000000000e+01  }
0x6b: {  	v8 =	vadd.f32 v9, v8  }
0x6c: {  	v7 =	vtrunc.f32 v7  }
0x6d: {  	v7 =	vcvt.f32.s32 v7;
	v9 =	vtrunc.f32 v8  }
0x6e: {  	v5 =	vmul.u32 $0x28, v5;
	v9 =	vcvt.f32.s32 v9  }
0x6f: {  	v4 =	vld.idx.msk [tilespmem:v4+s2+$0x0], $0xffff;
	vm13 =	vgt.s32 v7, $0x0  }
0x70: {  	v6 =	vld.idx.msk [tilespmem:v6+s2+$0x0], $0xffff;
	vm1 =	vgt.s32 v7, $0xFFFFFFFF;
	v7 =	vnsel vm13, $0x0, v7;
	v5 =	vadd.s32 v9, v5  }
0x71: {  	v7 =	vadd.s32 v2, v7;
	vm14 =	vlt.f32 v8, $4.000000000e+01;
	v5 =	vadd.s32 v2, v5  }
0x72: {  	v5 =	vsel vm14, v5, v2;
	_ =	sdelay $0x1  }
0x73: {  	vm2 =	vlt.f32 v4, $0.0e+00;
	vm3 =	vgt.f32 v4, $0.0e+00  }
0x74: {  	vm15 =	vlt.f32 v6, $0.0e+00;
	vm4 =	vgt.f32 v6, $0.0e+00;
	vm2 =	vmor vm3, vm2  }
0x75: {  	vm3 =	vmor vm4, vm15;
	vm2 =	vmand vm2, vm1;
	[tilespmem:v7+s10+$0x0] =	vst.idx.msk vm1, v4  }
0x76: {  	s13 =	sadd.s32 $0x1400, s13;
	vm3 =	vmand vm3, vm14;
	[tilespmem:v5+s10+$0x0] =	vst.idx.msk vm14, v6  }
0x77: {  	[hbm4b:s13+s2] =	stream.linear.scatter [tilespmem:s10], [sflag:$0x1], $0xA000, $0x38;
	[tilespmem:$0xA880] =	vst v63  }
0x78: {  	_ =	swait.ge [sflag:s8], $0xA000  }
0x79: {  	[sflag:s8] =	ssyncset.done $0x0  }
0x7a: {  	[sflag:s8] =	ssyncadd.s32 $0xFFFF6000  }
0x7b: {  	s11 =	sadd.s32 $0x1, s11;
	[tilespmem:v7+s10+$0x0] =	vst.idx.msk vm2, v3  }
0x7c: {  	s12 =	sadd.s32 $0x1400, s12;
	p0 =	sne.s32 s11, s5;
	[tilespmem:v5+s10+$0x0] =	vst.idx.msk vm3, v3  }
0x7d: {  	[hbm4b:s12+s2] =	stream.linear.scatter [tilespmem:s10], [sflag:$0x1], $0xA000, $0x38;
	[tilespmem:$0xA880] =	vst v63  }
.Ltmp2:
0x7e: {  	_ =	swait.ge [sflag:s8], $0xA000;
	(pc) =	sbr.rel @p0 .LBB2_1-.Ltmp2, $4  }
0x7f: {  	[sflag:s8] =	ssyncset.done $0x0  }
0x80: {  	[sflag:s8] =	ssyncadd.s32 $0xFFFF6000  }
0x81: {  	[tilespmem:v7+s10+$0x0] =	vst.idx.msk vm1, v0  }
0x82: {  	[tilespmem:v5+s10+$0x0] =	vst.idx.msk vm14, v0  }
0x83: {  	_ =	sfence.sel $0x180000  }
0x84: {  	[bflag:$0x0] =	sbarrier.arrive $0xFFFF  }
0x85: {  	p0 =	sne.s32 s1, $0x0;
	_ =	strace $0x90000047  }
0x86: {  	s0 =	sadd.s32 @!p0 $0x100000, s0;
	[bflag:$0x2] =	sbarrier.arrive $0xFFFF  }
0x87: {  	[sflag:s0] =	ssyncadd.tile.s32 @!p0 $0x1;
	_ =	shalt  }
.Lfunc_end2:
_tile_overlayer_lowered:
.L_overlay_start_2:
0x88: {  	(tag) =	ssettag $0x2  }
0x89: {  	s0 =	rddreg [dreg:$0x0];
	s2 =	stileid.u32  }
0x8a: {  	s1 =	rddreg [dreg:$0x1];
	p0 =	sne.s32 s2, $0x0  }
0x8b: {  	s3 =	rddreg [dreg:$0x2];
	[bflag:$0x3] =	sbarrier.arrive $0xFFFF;
	s2 =	simm.s32 @!p0 $0x1C01  }
0x8c: {  	[timem:s3], [sflag:s2] =	dma.local @!p0 [hbm:s0], s1  }
0x8d: {  	s0 =	simm.s32 @!p0 $0x1  }
0x8e: {  	_ =	swait.ge @!p0 [sflag:s0], s1  }
0x8f: {  	s1 =	ssub.s32 @!p0 $0x0, s1;
	[sflag:s0] =	ssyncset.done @!p0 $0x0  }
0x90: {  	[sflag:s0] =	ssyncadd.s32 @!p0 s1  }
0x91: {  	[bflag:$0x3] =	sbarrier.arrive $0xFFFF  }
0x92: {  	_ =	shalt  }

// kernel: sparse-core-data-format-call.1.cloned.1.call-start
scs
called_computation.1_lowered:
.L_overlay_start_0:
0x0: {  	s2 =	sld [smem:$0x3FD9]  }
0x1: {  	s3 =	sld [smem:$0x3FFE];
	_ =	sdelay $0x1  }
0x2: {  	s1 =	srdreg.scid  }
0x3: {  	s0 =	sand.u32 $0x1, s1  }
0x4: {  	s15 =	sshll.u32 s0, $0xA;
	s2 =	sadd.s32 s3, s2  }
0x5: {  	s2 =	sadd.s32 s2, s15  }
0x6: {  	[smem:$0x3FC6] =	sst s2  }
0x7: {  	_ = 	snop  }
0x8: {  	s2 =	sld [smem:$0x3FD0];
	_ =	sdelay $0x2  }
0x9: {  	s16 =	simm.s32 $0xB;
	s4 =	simm.s32 $0x10  }
0xa: {  	[smem:s4], [sflag:s16] =	dma.local [hbm:s2], $0x1  }
0xb: {  	_ =	swait.eq [sflag:s16], $0x1  }
0xc: {  	[sflag:s16] =	ssyncset.done $0x0  }
0xd: {  	[sflag:s16] =	ssyncadd.s32 $0xFFFFFFFF  }
0xe: {  	s17 =	sld [smem:$0x10];
	(tm) =	ssettm $0x1  }
0xf: {  	s18 =	sld [smem:$0x3FFB];
	_ =	sdelay $0x3  }
0x10: {  	_ =	strace s18  }
0x11: {  	s3 =	sld [smem:$0x3FFC];
	_ =	sdelay $0x3  }
0x12: {  	_ =	strace s3  }
0x13: {  	s3 =	sld [smem:$0x3FFD];
	_ =	sdelay $0x3  }
0x14: {  	_ =	strace s3  }
0x15: {  	_ =	strace $0x8FFFFFFF  }
0x16: {  	s19 =	sld [smem:$0x3FDB];
	_ =	sdelay $0x1  }
0x17: {  	s20 =	simm.s32 $_scs_section_size  }
0x18: {  	s5 =	simm.s32 $_size__tile_overlayer_lowered;
	s6 =	simm.s32 $_tile_overlayer_lowered  }
0x19: {  	s23 =	simm.s32 $0x1BFF;
	s22 =	sshll.u32 s6, $0x1;
	s3 =	sadd.s32 s20, s19  }
0x1a: {  	s7 =	simm.s32 $0x0;
	s21 =	sshll.u32 s5, $0x1;
	s5 =	sadd.s32 s22, s3  }
0x1b: {  	[timem:s7], [sflag:s23] =	dma.local [hbm:s5], s21  }
0x1c: {  	_ =	swait.ge [sflag:s23], s21  }
0x1d: {  	s4 =	ssub.s32 $0x0, s21;
	[sflag:s23] =	ssyncset.done $0x0  }
0x1e: {  	[sflag:s23] =	ssyncadd.s32 s4;
	_ =	sdelay $0x1  }
0x1f: {  	s24 =	simm.s32 $0x1B8B  }
0x20: {  	_ =	swait.ge [sflag:s24], $0x1  }
0x21: {  	[sflag:s24] =	ssyncset.done $0x0  }
0x22: {  	s26 =	simm.s32 $0x1B8E;
	s25 =	sld [smem:$0x3FFE];
	[sflag:s24] =	ssyncadd.s32 $0xFFFFFFFF  }
0x23: {  	s27 =	simm.s32 $execute0_lowered;
	[smem:$0x3FD2] =	sst s26  }
0x24: {  	s5 =	sshll.u32 s27, $0x1;
	_ =	strace $0x80000049;
	[dreg:$0x1] =	wrdreg $0xFFFFFFFF  }
0x25: {  	s28 =	simm.s32 $_size_execute0_lowered;
	s3 =	sadd.s32 s3, s5;
	[dreg:$0x0] =	wrdreg $0x0  }
0x26: {  	s5 =	sshll.u32 s28, $0x1;
	[dreg:$0x2] =	wrdreg s3  }
0x27: {  	[dreg:$0x3] =	wrdreg s5  }
0x28: {  	[dreg:$0x4] =	wrdreg $0xC0  }
0x29: {  	_ =	task [dreg:s7], $0x5FFFF  }
0x2a: {  	[dreg:$0x1] =	wrdreg $0xFFFFFFFF  }
0x2b: {  	[dreg:$0x0] =	wrdreg $0x60  }
0x2c: {  	[dreg:$0x2] =	wrdreg s25  }
0x2d: {  	[dreg:$0x3] =	wrdreg s17  }
0x2e: {  	[dreg:$0x4] =	wrdreg $0xA  }
0x2f: {  	_ =	task.clear_ibuf [dreg:s7], $0x5FFFF;
	_ =	strace $0x90000049  }
0x30: {  	s29 =	simm.s32 $0xA;
	_ =	strace $0x8000004B  }
0x31: {  	_ =	swait.ge [sflag:s29], $0x1  }
0x32: {  	[sflag:s29] =	ssyncadd.s32 $0xFFFFFFFF  }
0x33: {  	_ =	strace $0x9000004B  }
0x34: {  	_ =	sfence  }
0x35: {  	s30 =	sld [smem:$0x0];
	_ =	sdelay $0x2  }
0x36: {  	s31 =	sshll.u32 s1, $0xD;
	s1 =	sshrl.u32 s1, $0x2  }
0x37: {  	s3 =	sand.u32 $0x4000, s31;
	s1 =	sadd.s32 s1, s30  }
0x38: {  	s0 =	sor.u32 s3, s0;
	s1 =	sshll.u32 s1, $0x11  }
0x39: {  	s0 =	sor.u32 s1, s0  }
0x3a: {  	s0 =	sadd.s32 $0x8F2B, s0  }
0x3b: {  	[sflag:s0] =	ssyncadd.remote.s32 $0x1  }
0x3c: {  	_ =	sfence.sel $0xFFFF  }
0x3d: {  	[dreg:$0x0] =	wrdreg $0xFFFFFFFF;
	(pc) =	sbr.abs _section_cstart, $3  }
0x3e: {  	[dreg:$0x1] =	wrdreg $0xFFFFFFFF  }
0x3f: {  	_ =	task.clear_ibuf [dreg:s7], $0x2FFFF;
	_ =	strace $0x9FFFFFFF  }
0x40: {  	(tm) =	ssettm $0x7FFFFFFF  }
0x41: {  	_ =	shalt  }
tec
execute0_lowered:
.L_overlay_start_1:
0x0: {  	(tag) =	ssettag $0x1  }
0x1: {  	s0 =	stileid.u32;
	s4 =	rddreg [dreg:$0x0]  }
0x2: {  	s1 =	srdreg.scid;
	s3 =	rddreg [dreg:$0x1];
	s7 =	simm.s32 $0x1  }
0x3: {  	s31 =	simm.s32 $0x2;
	s17 =	simm.s32 $0x0;
	s9 =	simm.s32 $0x4000  }
0x4: {  	s18 =	simm.s32 $0x0;
	s2 =	sshll.u32 s0, $0x5;
	s1 =	sshll.u32 s1, $0x9  }
0x5: {  	s19 =	simm.s32 $0x0;
	s10 =	simm.s32 $0x0;
	s1 =	sor.u32 s2, s1  }
0x6: {  	s11 =	simm.s32 $0x0;
	s12 =	simm.s32 $0x0;
	s2 =	sand.u32 $0x380, s1  }
0x7: {  	s13 =	simm.s32 $0x0;
	s16 =	simm.s32 $0x0;
	s5 =	ssub.s32 $0x800, s2  }
0x8: {  	s4 =	sadd.s32 $0x1200, s4;
	s1 =	rddreg [dreg:$0x2];
	s6 =	sand.u32 $0x380, s5  }
.Ltmp0:
0x9: {  	_ =	strace $0x8000004A;
	p0 =	sne.s32 s6, $0x0;
	(pc) =	sbr.rel .LBB1_1-.Ltmp0, $4  }
0xa: {  	s14 =	smov.u32 s2;
	s8 =	sshrl.u32 s5, $0xA;
	s7 =	simm.s32 @!p0 $0x0  }
0xb: {  	s5 =	sand.u32 $0x3, s0;
	s6 =	simm.s32 $0x1;
	s7 =	sadd.s32 s7, s8  }
0xc: {  	s15 =	smov.u32 s5;
	[sflag:s6] =	ssyncpa.u1 $0x0;
	s7 =	sshll.u32 s7, $0x6  }
0xd: {  	p0 =	por $0x0, $0x0;
	[sflag:s31] =	ssyncpa.u1 $0x0;
	s8 =	sor.u32 $0x1, s7  }
.LBB1_4:
0xe: {  	s22 =	sshll.u32 s11, $0x3;
	p1 =	sgt.s32 s12, $0x3  }
0xf: {  	s23 =	smov.u32 s12;
	s24 =	sshra.s32 s12, $0x1F;
	p2 =	sgt.s32 s11, $0x780  }
0x10: {  	s27 =	smov.u32 s11;
	s28 =	sshra.s32 s11, $0x1F;
	s29 =	sshra.s32 s10, $0x1F  }
0x11: {  	s25 =	sshrl.u32 s22, $0xB;
	s23 =	simm.s32 @!p1 $0x3;
	s24 =	sand.u32 s24, s12  }
0x12: {  	s27 =	simm.s32 @!p2 $0x780;
	s31 =	sand.u32 s28, s11;
	p2 =	sgt.s32 s10, $0x3F  }
0x13: {  	s28 =	smov.u32 s10;
	s22 =	sand.u32 $0x400, s22;
	s23 =	ssub.s32 s23, s24  }
0x14: {  	s26 =	smulhi.u32 $0x6666667, s25;
	s24 =	sadd.s32 $0xFFFFFFFD, s23;
	s23 =	ssub.s32 $0x4, s23  }
0x15: {  	s28 =	simm.s32 @!p2 $0x3F;
	p1 =	sgt.s32 s24, $0x0;
	s23 =	smul.u32 $0x28, s23  }
0x16: {  	s24 =	ssub.s32 s27, s31;
	s27 =	sand.u32 s29, s10;
	s26 =	smul.u32 $0x28, s26  }
0x17: {  	s31 =	sand.u32 $0x78, s11;
	s27 =	ssub.s32 s28, s27;
	s30 =	sadd.s32 $0xFFFFF880, s24  }
0x18: {  	s24 =	ssub.s32 $0x800, s24;
	s22 =	sor.u32 s31, s22;
	s31 =	smul.u32 $0x2800, s10  }
0x19: {  	s28 =	sand.u32 $0x7, s11;
	p2 =	sgt.s32 s30, $0x7F;
	s23 =	simm.s32 @p1 $0x0  }
0x1a: {  	s29 =	sadd.s32 $0xFFFFFFC1, s27;
	s30 =	smul.u32 $0xA0000, s12;
	s24 =	simm.s32 @p2 $0x0  }
0x1b: {  	p1 =	sgt.s32 s29, $0x0;
	s23 =	smul.u32 s24, s23;
	s24 =	ssub.s32 $0x40, s27  }
0x1c: {  	s25 =	ssub.s32 s25, s26;
	s27 =	sadd.s32 s3, s30;
	s24 =	simm.s32 @p1 $0x0  }
0x1d: {  	[tilespmem:s21+$0x810 ss:$0x81] =	vst.msk $0xffff, v2;
	s25 =	sshll.u32 s25, $0x8;
	s23 =	smul.u32 s24, s23;
	s24 =	sadd.s32 s31, s27  }
0x1e: {  	[tilespmem:s21+$0x1020 ss:$0x81] =	vst.msk $0xffff, v0;
	s22 =	sshrl.u32 s22, $0x3;
	s29 =	sshll.u32 s28, $0x12;
	s24 =	sadd.s32 s25, s24  }
0x1f: {  	[tilespmem:s21+$0x0 ss:$0x81] =	vst.msk $0xffff, v1;
	s31 =	sor.u32 $0x400, s29;
	s30 =	sand.u32 $0x3FFFFFF8, s23;
	s22 =	sadd.s32 s22, s24  }
0x20: {  	[hbm4b:s22+s31] =	stream.strided.scatter [tilespmem:s20], [sflag:$0x2], s30, s9, s31, $0x20;
	[tilespmem:$0x8080] =	vst v63  }
.LBB1_5:
0x21: {  	p1 =	slt.u32 s16, $0x2  }
0x22: {  	p2 =	sgt.s32 @!p1 s19, $0x3  }
0x23: {  	s20 =	smov.u32 s19;
	s21 =	sshra.s32 @!p1 s19, $0x1F;
	p2 =	por !p2, p1  }
0x24: {  	p3 =	sgt.s32 @!p1 s18, $0x780;
	s19 =	sand.u32 @!p1 s21, s19;
	s20 =	simm.s32 @p2 $0x3  }
0x25: {  	s22 =	smov.u32 s17;
	p3 =	por !p3, p1;
	s19 =	ssub.s32 @!p1 s20, s19  }
0x26: {  	s21 =	sshra.s32 @!p1 s18, $0x1F;
	s20 =	sadd.s32 @!p1 $0xFFFFFFFD, s19;
	s19 =	ssub.s32 @!p1 $0x4, s19  }
0x27: {  	p2 =	sgt.s32 @!p1 s20, $0x0;
	s20 =	smov.u32 s18;
	s18 =	sand.u32 @!p1 s21, s18  }
0x28: {  	s21 =	sshra.s32 @!p1 s17, $0x1F;
	s20 =	simm.s32 @p3 $0x780;
	p3 =	sgt.s32 @!p1 s17, $0x3F  }
0x29: {  	s19 =	smul.u32 @!p1 $0x28, s19;
	p3 =	por !p3, p1;
	s18 =	ssub.s32 @!p1 s20, s18  }
0x2a: {  	s17 =	sand.u32 @!p1 s21, s17;
	s22 =	simm.s32 @p3 $0x3F;
	s20 =	sadd.s32 @!p1 $0xFFFFF880, s18  }
0x2b: {  	p2 =	por !p2, p1;
	s17 =	ssub.s32 @!p1 s22, s17;
	p3 =	sgt.s32 @!p1 s20, $0x7F  }
0x2c: {  	s18 =	ssub.s32 @!p1 $0x800, s18;
	s21 =	sadd.s32 @!p1 $0xFFFFFFC1, s17;
	p3 =	por !p3, p1  }
0x2d: {  	s19 =	simm.s32 @!p2 $0x0;
	s18 =	simm.s32 @!p3 $0x0;
	p3 =	sgt.s32 @!p1 s21, $0x0  }
0x2e: {  	s17 =	ssub.s32 @!p1 $0x40, s17;
	p2 =	por !p3, p1;
	s18 =	smul.u32 @!p1 s18, s19  }
0x2f: {  	s20 =	sadd.s32 $0x1, s13;
	s21 =	smov.u32 s14;
	s17 =	simm.s32 @!p2 $0x0  }
0x30: {  	p2 =	sgt.s32 s20, $0x3F;
	s17 =	smul.u32 @!p1 s17, s18;
	s18 =	sadd.s32 $0x400, s14  }
0x31: {  	s21 =	smov.u32 @p2 s18  }
0x32: {  	s23 =	smov.u32 s15;
	s18 =	sadd.s32 $0x4, s15;
	p3 =	sgt.s32 s21, $0x7FF  }
0x33: {  	p0 =	por !p0, !p0;
	s22 =	simm.s32 @!p1 $0x2;
	s23 =	smov.u32 @p3 s18  }
0x34: {  	s19 =	smov.u32 s12;
	s20 =	simm.s32 @p2 $0x0;
	p2 =	sgt.s32 s23, $0x3  }
0x35: {  	s17 =	sand.u32 @!p1 $0x3FFFFFF8, s17;
	s23 =	smov.u32 @p2 s5;
	p2 =	sne.s32 s16, s8  }
.Ltmp1:
0x36: {  	s12 =	smov.u32 s15;
	_ =	swait.ge @!p1 [sflag:s22], s17;
	(pc) =	sbr.rel @!p2 .LBB1_6-.Ltmp1, $4  }
0x37: {  	s24 =	ssub.s32 @!p1 $0x0, s17;
	s21 =	smov.u32 @p3 s2;
	s17 =	smov.u32 s10  }
0x38: {  	s18 =	smov.u32 s11;
	s10 =	smov.u32 s13;
	s11 =	smov.u32 s14  }
0x39: {  	s13 =	smov.u32 s20;
	[sflag:s22] =	ssyncset.done @!p1 $0x0;
	s14 =	smov.u32 s21  }
0x3a: {  	s16 =	sadd.s32 $0x1, s16;
	[sflag:s22] =	ssyncadd.s32 @!p1 s24;
	s15 =	smov.u32 s23  }
.LBB1_1:
0x3b: {  	p1 =	sge.u32 s16, s7;
	s31 =	sadd.s32 $0xFFFFFFFF, s16  }
0x3c: {  	s20 =	sxor.u32 @!p1 $0xFFFFFFFF, s16;
	s21 =	sshll.u32 @!p1 s15, $0x15;
	s22 =	sshll.u32 @!p1 s14, $0xA  }
0x3d: {  	s23 =	sshll.u32 @!p1 s13, $0x4;
	s20 =	sshll.u32 @!p1 s20, $0xD;
	s21 =	sadd.s32 @!p1 s4, s21  }
0x3e: {  	s23 =	sand.u32 @!p1 $0x3F0, s23;
	s20 =	sand.u32 @!p1 $0x2000, s20;
	s21 =	sadd.s32 @!p1 s22, s21  }
0x3f: {  	s22 =	simm.s32 @!p1 $0x40;
	s21 =	sadd.s32 @!p1 s23, s21;
	s23 =	simm.s32 @!p1 $0x2000  }
0x40: {  	[tilespmem:s20], [sflag:$0x1] =	stream.strided.gather @!p1 [hbm4b:s21+s22], $0x2000, s23, s22, $0x38;
	[tilespmem:$0x8080] =	vst v63  }
0x41: {  	p1 =	sge.u32 s31, s7  }
.Ltmp2:
0x42: {  	_ = 	snop;
	(pc) =	sbr.rel @p1 .LBB1_5-.Ltmp2, $1  }
0x43: {  	_ =	sdelay $0x3  }
0x44: {  	s20 =	simm.s32 $0x1  }
0x45: {  	_ =	swait.ge [sflag:s6], $0x2000;
	s20 =	simm.s32 @!p0 $0x0  }
0x46: {  	[sflag:s6] =	ssyncset.done $0x0;
	s21 =	sshll.u32 s20, $0xD  }
0x47: {  	[sflag:s6] =	ssyncadd.s32 $0xFFFFE000;
	s24 =	sor.u32 $0x20, s21  }
0x48: {  	s20 =	smul.u32 $0x8100, s20;
	v3 =	vld [tilespmem:s24+$0x10]  }
0x49: {  	s30 =	sand.u32 $0x1, s16;
	v2 =	vld [tilespmem:s24+$0xFFFFFFF0]  }
0x4a: {  	s21 =	smul.u32 $0x8100, s30;
	s20 =	sshrl.u32 s20, $0x2;
	v0 =	vld [tilespmem:s24+$0x0]  }
0x4b: {  	v1 =	vld [tilespmem:s24+$0xFFFFFFE0];
	s22 =	sor.u32 $0x4000, s20  }
0x4c: {  	s31 =	sshrl.u32 s21, $0x2;
	s21 =	sadd.s32 $0x0, s22  }
0x4d: {  	s23 =	simm.s32 $0x4;
	s24 =	sadd.s32 $0x40, s24;
	s20 =	sor.u32 $0x4000, s31;
	[tilespmem:s21+$0x1830 ss:$0x81] =	vst.msk $0xffff, v3  }
.LBB1_3:
0x4e: {  	v3 =	vld [tilespmem:s24+$0x10];
	p1 =	sne.s32 s23, $0x1FC;
	[tilespmem:s21+$0x810 ss:$0x81] =	vst.msk $0xffff, v2;
	s25 =	smov.u32 s23;
	s23 =	sadd.s32 $0x4, s23  }
.Ltmp3:
0x4f: {  	v2 =	vld [tilespmem:s24+$0xFFFFFFF0];
	[tilespmem:s21+$0x1020 ss:$0x81] =	vst.msk $0xffff, v0;
	(pc) =	sbr.rel @p1 .LBB1_3-.Ltmp3, $4  }
0x50: {  	v0 =	vld [tilespmem:s24+$0x0];
	[tilespmem:s21+$0x0 ss:$0x81] =	vst.msk $0xffff, v1  }
0x51: {  	s21 =	sshra.s32 s25, $0x2;
	v1 =	vld [tilespmem:s24+$0xFFFFFFE0]  }
0x52: {  	s21 =	sadd.s32 s21, s22  }
0x53: {  	s24 =	sadd.s32 $0x40, s24;
	[tilespmem:s21+$0x1830 ss:$0x81] =	vst.msk $0xffff, v3  }
.Ltmp4:
0x54: {  	_ = 	snop;
	(pc) =	sbr.rel .LBB1_4-.Ltmp4, $1  }
0x55: {  	_ =	sdelay $0x3  }
.LBB1_6:
0x56: {  	_ =	sfence.sel $0x180000  }
0x57: {  	s2 =	simm.s32 $0x1;
	[bflag:$0x0] =	sbarrier.arrive $0xFFFF  }
0x58: {  	s31 =	simm.s32 $0x2;
	[sflag:s2] =	ssyncpa.u1 $0x1  }
0x59: {  	[sflag:s31] =	ssyncpa.u1 $0x1  }
0x5a: {  	p0 =	sne.s32 s0, $0x0;
	_ =	strace $0x9000004A  }
0x5b: {  	s0 =	sadd.s32 @!p0 $0x100000, s1;
	[bflag:$0x2] =	sbarrier.arrive $0xFFFF  }
0x5c: {  	[sflag:s0] =	ssyncadd.tile.s32 @!p0 $0x1;
	_ =	shalt  }
.Lfunc_end1:
_tile_overlayer_lowered:
.L_overlay_start_2:
0x5d: {  	(tag) =	ssettag $0x2  }
0x5e: {  	s0 =	rddreg [dreg:$0x0];
	s2 =	stileid.u32  }
0x5f: {  	s1 =	rddreg [dreg:$0x1];
	p0 =	sne.s32 s2, $0x0  }
0x60: {  	s3 =	rddreg [dreg:$0x2];
	[bflag:$0x3] =	sbarrier.arrive $0xFFFF;
	s2 =	simm.s32 @!p0 $0x1C01  }
0x61: {  	[timem:s3], [sflag:s2] =	dma.local @!p0 [hbm:s0], s1  }
0x62: {  	s0 =	simm.s32 @!p0 $0x1  }
0x63: {  	_ =	swait.ge @!p0 [sflag:s0], s1  }
0x64: {  	s1 =	ssub.s32 @!p0 $0x0, s1;
	[sflag:s0] =	ssyncset.done @!p0 $0x0  }
0x65: {  	[sflag:s0] =	ssyncadd.s32 @!p0 s1  }
0x66: {  	[bflag:$0x3] =	sbarrier.arrive $0xFFFF  }
0x67: {  	_ =	shalt  }

// kernel: sparse-core-data-format-call.cloned.1.call-start
scs
called_computation_lowered:
.L_overlay_start_0:
0x0: {  	s2 =	sld [smem:$0x3FD9]  }
0x1: {  	s3 =	sld [smem:$0x3FFE];
	_ =	sdelay $0x1  }
0x2: {  	s1 =	srdreg.scid  }
0x3: {  	s0 =	sand.u32 $0x1, s1  }
0x4: {  	s16 =	sshll.u32 s0, $0xA;
	s2 =	sadd.s32 s3, s2  }
0x5: {  	s2 =	sadd.s32 s2, s16  }
0x6: {  	[smem:$0x3FC6] =	sst s2  }
0x7: {  	_ = 	snop  }
0x8: {  	s2 =	sld [smem:$0x3FD0];
	_ =	sdelay $0x2  }
0x9: {  	s17 =	simm.s32 $0xB;
	s4 =	simm.s32 $0x10  }
0xa: {  	[smem:s4], [sflag:s17] =	dma.local [hbm:s2], $0x1  }
0xb: {  	_ =	swait.eq [sflag:s17], $0x1  }
0xc: {  	[sflag:s17] =	ssyncset.done $0x0  }
0xd: {  	[sflag:s17] =	ssyncadd.s32 $0xFFFFFFFF  }
0xe: {  	s18 =	sld [smem:$0x11];
	(tm) =	ssettm $0x1  }
0xf: {  	s19 =	sld [smem:$0x3FFB];
	_ =	sdelay $0x3  }
0x10: {  	_ =	strace s19  }
0x11: {  	s2 =	sld [smem:$0x3FFC];
	_ =	sdelay $0x3  }
0x12: {  	_ =	strace s2  }
0x13: {  	s2 =	sld [smem:$0x3FFD];
	_ =	sdelay $0x3  }
0x14: {  	_ =	strace s2  }
0x15: {  	_ =	strace $0x8FFFFFFF  }
0x16: {  	s20 =	sld [smem:$0x3FDB];
	_ =	sdelay $0x1  }
0x17: {  	s21 =	simm.s32 $_scs_section_size  }
0x18: {  	s5 =	simm.s32 $_size__tile_overlayer_lowered;
	s6 =	simm.s32 $_tile_overlayer_lowered  }
0x19: {  	s7 =	simm.s32 $0x1BFF;
	s22 =	sshll.u32 s6, $0x1;
	s4 =	sadd.s32 s21, s20  }
0x1a: {  	s23 =	simm.s32 $0x0;
	s5 =	sshll.u32 s5, $0x1;
	s6 =	sadd.s32 s22, s4  }
0x1b: {  	[timem:s23], [sflag:s7] =	dma.local [hbm:s6], s5  }
0x1c: {  	_ =	swait.ge [sflag:s7], s5  }
0x1d: {  	s5 =	ssub.s32 $0x0, s5;
	[sflag:s7] =	ssyncset.done $0x0  }
0x1e: {  	[sflag:s7] =	ssyncadd.s32 s5;
	_ =	sdelay $0x1  }
0x1f: {  	s24 =	simm.s32 $0x1B8B  }
0x20: {  	_ =	swait.ge [sflag:s24], $0x1  }
0x21: {  	[sflag:s24] =	ssyncset.done $0x0  }
0x22: {  	[sflag:s24] =	ssyncadd.s32 $0xFFFFFFFF  }
0x23: {  	s5 =	sld [smem:$0x0]  }
0x24: {  	s6 =	sand.u32 $0xFFFFFFFE, s1  }
0x25: {  	p0 =	sne.s32 s1, s6  }
0x26: {  	s6 =	sshll.u32 @p0 s6, $0xE  }
0x27: {  	s6 =	sadd.s32 @p0 $0x11B8D, s6;
	s7 =	sshll.u32 @p0 s5, $0x11  }
0x28: {  	s6 =	sor.u32 @p0 s7, s6  }
0x29: {  	[sflag:s6] =	ssyncadd.remote.s32 @p0 $0x1;
	_ =	sdelay $0x1  }
0x2a: {  	s6 =	simm.s32 @p0 $0x1B8D  }
0x2b: {  	_ =	swait.eq @p0 [sflag:s6], $0x1  }
0x2c: {  	[sflag:s6] =	ssyncadd.s32 @p0 $0xFFFFFFFF  }
0x2d: {  	s7 =	sshll.u32 @!p0 s1, $0xE  }
0x2e: {  	s7 =	sor.u32 @!p0 $0x4000, s7;
	s6 =	simm.s32 @!p0 $0x1B8D  }
0x2f: {  	s5 =	sshll.u32 @!p0 s5, $0x11;
	s7 =	sadd.s32 @!p0 $0x11B8D, s7;
	_ =	swait.eq @!p0 [sflag:s6], $0x1  }
0x30: {  	s5 =	sor.u32 @!p0 s5, s7;
	[sflag:s6] =	ssyncadd.s32 @!p0 $0xFFFFFFFF  }
0x31: {  	s26 =	simm.s32 $0x1B8E;
	s25 =	sld [smem:$0x3FFE];
	[sflag:s5] =	ssyncadd.remote.s32 @!p0 $0x1  }
0x32: {  	s27 =	simm.s32 $execute0_lowered;
	[smem:$0x3FD2] =	sst s26  }
0x33: {  	s6 =	sshll.u32 s27, $0x1;
	_ =	strace $0x8000004C;
	[dreg:$0x1] =	wrdreg $0xFFFFFFFF  }
0x34: {  	s28 =	simm.s32 $_size_execute0_lowered;
	s4 =	sadd.s32 s4, s6;
	[dreg:$0x0] =	wrdreg $0x0  }
0x35: {  	s6 =	sshll.u32 s28, $0x1;
	[dreg:$0x2] =	wrdreg s4  }
0x36: {  	[dreg:$0x3] =	wrdreg s6  }
0x37: {  	[dreg:$0x4] =	wrdreg $0xC0  }
0x38: {  	_ =	task [dreg:s23], $0x5FFFF  }
0x39: {  	[dreg:$0x1] =	wrdreg $0xFFFFFFFF  }
0x3a: {  	[dreg:$0x0] =	wrdreg $0x60  }
0x3b: {  	[dreg:$0x2] =	wrdreg s25  }
0x3c: {  	[dreg:$0x3] =	wrdreg s18  }
0x3d: {  	[dreg:$0x4] =	wrdreg $0x9  }
0x3e: {  	_ =	task.clear_ibuf [dreg:s23], $0x5FFFF;
	_ =	strace $0x9000004C  }
0x3f: {  	s29 =	simm.s32 $0x9;
	_ =	strace $0x8000004E  }
0x40: {  	_ =	swait.ge [sflag:s29], $0x1  }
0x41: {  	[sflag:s29] =	ssyncadd.s32 $0xFFFFFFFF  }
0x42: {  	_ =	strace $0x9000004E  }
0x43: {  	_ =	sfence  }
0x44: {  	s30 =	sld [smem:$0x0];
	_ =	sdelay $0x2  }
0x45: {  	s31 =	sshll.u32 s1, $0xD;
	s1 =	sshrl.u32 s1, $0x2  }
0x46: {  	s4 =	sand.u32 $0x4000, s31;
	s1 =	sadd.s32 s1, s30  }
0x47: {  	s0 =	sor.u32 s4, s0;
	s1 =	sshll.u32 s1, $0x11  }
0x48: {  	s0 =	sor.u32 s1, s0  }
0x49: {  	s0 =	sadd.s32 $0x8F2B, s0  }
0x4a: {  	[sflag:s0] =	ssyncadd.remote.s32 $0x1  }
0x4b: {  	_ =	sfence.sel $0xFFFF  }
0x4c: {  	[dreg:$0x0] =	wrdreg $0xFFFFFFFF;
	(pc) =	sbr.abs _section_cstart, $3  }
0x4d: {  	[dreg:$0x1] =	wrdreg $0xFFFFFFFF  }
0x4e: {  	_ =	task.clear_ibuf [dreg:s23], $0x2FFFF;
	_ =	strace $0x9FFFFFFF  }
0x4f: {  	(tm) =	ssettm $0x7FFFFFFF  }
tec
execute0_lowered:
.L_overlay_start_1:
0x0: {  	(tag) =	ssettag $0x1  }
0x1: {  	s0 =	stileid.u32;
	s4 =	rddreg [dreg:$0x0]  }
0x2: {  	s1 =	srdreg.scid;
	s3 =	rddreg [dreg:$0x1];
	s7 =	simm.s32 $0x1  }
0x3: {  	s31 =	simm.s32 $0x2;
	s17 =	simm.s32 $0x0;
	s9 =	simm.s32 $0x4000  }
0x4: {  	s18 =	simm.s32 $0x0;
	s2 =	sshll.u32 s0, $0x5;
	s1 =	sshll.u32 s1, $0x9  }
0x5: {  	s19 =	simm.s32 $0x0;
	s10 =	simm.s32 $0x0;
	s1 =	sor.u32 s2, s1  }
0x6: {  	s11 =	simm.s32 $0x0;
	s12 =	simm.s32 $0x0;
	s2 =	sand.u32 $0x380, s1  }
0x7: {  	s13 =	simm.s32 $0x0;
	s16 =	simm.s32 $0x0;
	s5 =	ssub.s32 $0x800, s2  }
0x8: {  	s4 =	sadd.s32 $0x801200, s4;
	s1 =	rddreg [dreg:$0x2];
	s6 =	sand.u32 $0x380, s5  }
.Ltmp0:
0x9: {  	_ =	strace $0x8000004D;
	p0 =	sne.s32 s6, $0x0;
	(pc) =	sbr.rel .LBB1_1-.Ltmp0, $4  }
0xa: {  	s14 =	smov.u32 s2;
	s8 =	sshrl.u32 s5, $0xA;
	s7 =	simm.s32 @!p0 $0x0  }
0xb: {  	s5 =	sand.u32 $0x3, s0;
	s6 =	simm.s32 $0x1;
	s7 =	sadd.s32 s7, s8  }
0xc: {  	s15 =	smov.u32 s5;
	[sflag:s6] =	ssyncpa.u1 $0x0;
	s7 =	sshll.u32 s7, $0x6  }
0xd: {  	p0 =	por $0x0, $0x0;
	[sflag:s31] =	ssyncpa.u1 $0x0;
	s8 =	sor.u32 $0x1, s7  }
.LBB1_4:
0xe: {  	s22 =	sshll.u32 s11, $0x3;
	p1 =	sgt.s32 s12, $0x3  }
0xf: {  	s23 =	smov.u32 s12;
	s24 =	sshra.s32 s12, $0x1F;
	p2 =	sgt.s32 s11, $0x780  }
0x10: {  	s27 =	smov.u32 s11;
	s28 =	sshra.s32 s11, $0x1F;
	s29 =	sshra.s32 s10, $0x1F  }
0x11: {  	s25 =	sshrl.u32 s22, $0xB;
	s23 =	simm.s32 @!p1 $0x3;
	s24 =	sand.u32 s24, s12  }
0x12: {  	s27 =	simm.s32 @!p2 $0x780;
	s31 =	sand.u32 s28, s11;
	p2 =	sgt.s32 s10, $0x3F  }
0x13: {  	s28 =	smov.u32 s10;
	s22 =	sand.u32 $0x400, s22;
	s23 =	ssub.s32 s23, s24  }
0x14: {  	s26 =	smulhi.u32 $0x6666667, s25;
	s24 =	sadd.s32 $0xFFFFFFFD, s23;
	s23 =	ssub.s32 $0x4, s23  }
0x15: {  	s28 =	simm.s32 @!p2 $0x3F;
	p1 =	sgt.s32 s24, $0x0;
	s23 =	smul.u32 $0x28, s23  }
0x16: {  	s24 =	ssub.s32 s27, s31;
	s27 =	sand.u32 s29, s10;
	s26 =	smul.u32 $0x28, s26  }
0x17: {  	s31 =	sand.u32 $0x78, s11;
	s27 =	ssub.s32 s28, s27;
	s30 =	sadd.s32 $0xFFFFF880, s24  }
0x18: {  	s24 =	ssub.s32 $0x800, s24;
	s22 =	sor.u32 s31, s22;
	s31 =	smul.u32 $0x2800, s10  }
0x19: {  	s28 =	sand.u32 $0x7, s11;
	p2 =	sgt.s32 s30, $0x7F;
	s23 =	simm.s32 @p1 $0x0  }
0x1a: {  	s29 =	sadd.s32 $0xFFFFFFC1, s27;
	s30 =	smul.u32 $0xA0000, s12;
	s24 =	simm.s32 @p2 $0x0  }
0x1b: {  	p1 =	sgt.s32 s29, $0x0;
	s23 =	smul.u32 s24, s23;
	s24 =	ssub.s32 $0x40, s27  }
0x1c: {  	s25 =	ssub.s32 s25, s26;
	s27 =	sadd.s32 s3, s30;
	s24 =	simm.s32 @p1 $0x0  }
0x1d: {  	[tilespmem:s21+$0x810 ss:$0x81] =	vst.msk $0xffff, v2;
	s25 =	sshll.u32 s25, $0x8;
	s23 =	smul.u32 s24, s23;
	s24 =	sadd.s32 s31, s27  }
0x1e: {  	[tilespmem:s21+$0x1020 ss:$0x81] =	vst.msk $0xffff, v0;
	s22 =	sshrl.u32 s22, $0x3;
	s29 =	sshll.u32 s28, $0x12;
	s24 =	sadd.s32 s25, s24  }
0x1f: {  	[tilespmem:s21+$0x0 ss:$0x81] =	vst.msk $0xffff, v1;
	s31 =	sor.u32 $0x400, s29;
	s30 =	sand.u32 $0x3FFFFFF8, s23;
	s22 =	sadd.s32 s22, s24  }
0x20: {  	[hbm4b:s22+s31] =	stream.strided.scatter [tilespmem:s20], [sflag:$0x2], s30, s9, s31, $0x20;
	[tilespmem:$0x8080] =	vst v63  }
.LBB1_5:
0x21: {  	p1 =	slt.u32 s16, $0x2  }
0x22: {  	p2 =	sgt.s32 @!p1 s19, $0x3  }
0x23: {  	s20 =	smov.u32 s19;
	s21 =	sshra.s32 @!p1 s19, $0x1F;
	p2 =	por !p2, p1  }
0x24: {  	p3 =	sgt.s32 @!p1 s18, $0x780;
	s19 =	sand.u32 @!p1 s21, s19;
	s20 =	simm.s32 @p2 $0x3  }
0x25: {  	s22 =	smov.u32 s17;
	p3 =	por !p3, p1;
	s19 =	ssub.s32 @!p1 s20, s19  }
0x26: {  	s21 =	sshra.s32 @!p1 s18, $0x1F;
	s20 =	sadd.s32 @!p1 $0xFFFFFFFD, s19;
	s19 =	ssub.s32 @!p1 $0x4, s19  }
0x27: {  	p2 =	sgt.s32 @!p1 s20, $0x0;
	s20 =	smov.u32 s18;
	s18 =	sand.u32 @!p1 s21, s18  }
0x28: {  	s21 =	sshra.s32 @!p1 s17, $0x1F;
	s20 =	simm.s32 @p3 $0x780;
	p3 =	sgt.s32 @!p1 s17, $0x3F  }
0x29: {  	s19 =	smul.u32 @!p1 $0x28, s19;
	p3 =	por !p3, p1;
	s18 =	ssub.s32 @!p1 s20, s18  }
0x2a: {  	s17 =	sand.u32 @!p1 s21, s17;
	s22 =	simm.s32 @p3 $0x3F;
	s20 =	sadd.s32 @!p1 $0xFFFFF880, s18  }
0x2b: {  	p2 =	por !p2, p1;
	s17 =	ssub.s32 @!p1 s22, s17;
	p3 =	sgt.s32 @!p1 s20, $0x7F  }
0x2c: {  	s18 =	ssub.s32 @!p1 $0x800, s18;
	s21 =	sadd.s32 @!p1 $0xFFFFFFC1, s17;
	p3 =	por !p3, p1  }
0x2d: {  	s19 =	simm.s32 @!p2 $0x0;
	s18 =	simm.s32 @!p3 $0x0;
	p3 =	sgt.s32 @!p1 s21, $0x0  }
0x2e: {  	s17 =	ssub.s32 @!p1 $0x40, s17;
	p2 =	por !p3, p1;
	s18 =	smul.u32 @!p1 s18, s19  }
0x2f: {  	s20 =	sadd.s32 $0x1, s13;
	s21 =	smov.u32 s14;
	s17 =	simm.s32 @!p2 $0x0  }
0x30: {  	p2 =	sgt.s32 s20, $0x3F;
	s17 =	smul.u32 @!p1 s17, s18;
	s18 =	sadd.s32 $0x400, s14  }
0x31: {  	s21 =	smov.u32 @p2 s18  }
0x32: {  	s23 =	smov.u32 s15;
	s18 =	sadd.s32 $0x4, s15;
	p3 =	sgt.s32 s21, $0x7FF  }
0x33: {  	p0 =	por !p0, !p0;
	s22 =	simm.s32 @!p1 $0x2;
	s23 =	smov.u32 @p3 s18  }
0x34: {  	s19 =	smov.u32 s12;
	s20 =	simm.s32 @p2 $0x0;
	p2 =	sgt.s32 s23, $0x3  }
0x35: {  	s17 =	sand.u32 @!p1 $0x3FFFFFF8, s17;
	s23 =	smov.u32 @p2 s5;
	p2 =	sne.s32 s16, s8  }
.Ltmp1:
0x36: {  	s12 =	smov.u32 s15;
	_ =	swait.ge @!p1 [sflag:s22], s17;
	(pc) =	sbr.rel @!p2 .LBB1_6-.Ltmp1, $4  }
0x37: {  	s24 =	ssub.s32 @!p1 $0x0, s17;
	s21 =	smov.u32 @p3 s2;
	s17 =	smov.u32 s10  }
0x38: {  	s18 =	smov.u32 s11;
	s10 =	smov.u32 s13;
	s11 =	smov.u32 s14  }
0x39: {  	s13 =	smov.u32 s20;
	[sflag:s22] =	ssyncset.done @!p1 $0x0;
	s14 =	smov.u32 s21  }
0x3a: {  	s16 =	sadd.s32 $0x1, s16;
	[sflag:s22] =	ssyncadd.s32 @!p1 s24;
	s15 =	smov.u32 s23  }
.LBB1_1:
0x3b: {  	p1 =	sge.u32 s16, s7;
	s31 =	sadd.s32 $0xFFFFFFFF, s16  }
0x3c: {  	s20 =	sxor.u32 @!p1 $0xFFFFFFFF, s16;
	s21 =	sshll.u32 @!p1 s15, $0x15;
	s22 =	sshll.u32 @!p1 s14, $0xA  }
0x3d: {  	s23 =	sshll.u32 @!p1 s13, $0x4;
	s20 =	sshll.u32 @!p1 s20, $0xD;
	s21 =	sadd.s32 @!p1 s4, s21  }
0x3e: {  	s23 =	sand.u32 @!p1 $0x3F0, s23;
	s20 =	sand.u32 @!p1 $0x2000, s20;
	s21 =	sadd.s32 @!p1 s22, s21  }
0x3f: {  	s22 =	simm.s32 @!p1 $0x40;
	s21 =	sadd.s32 @!p1 s23, s21;
	s23 =	simm.s32 @!p1 $0x2000  }
0x40: {  	[tilespmem:s20], [sflag:$0x1] =	stream.strided.gather @!p1 [hbm4b:s21+s22], $0x2000, s23, s22, $0x38;
	[tilespmem:$0x8080] =	vst v63  }
0x41: {  	p1 =	sge.u32 s31, s7  }
.Ltmp2:
0x42: {  	_ = 	snop;
	(pc) =	sbr.rel @p1 .LBB1_5-.Ltmp2, $1  }
0x43: {  	_ =	sdelay $0x3  }
0x44: {  	s20 =	simm.s32 $0x1  }
0x45: {  	_ =	swait.ge [sflag:s6], $0x2000;
	s20 =	simm.s32 @!p0 $0x0  }
0x46: {  	[sflag:s6] =	ssyncset.done $0x0;
	s21 =	sshll.u32 s20, $0xD  }
0x47: {  	[sflag:s6] =	ssyncadd.s32 $0xFFFFE000;
	s24 =	sor.u32 $0x20, s21  }
0x48: {  	s20 =	smul.u32 $0x8100, s20;
	v3 =	vld [tilespmem:s24+$0x10]  }
0x49: {  	s30 =	sand.u32 $0x1, s16;
	v2 =	vld [tilespmem:s24+$0xFFFFFFF0]  }
0x4a: {  	s21 =	smul.u32 $0x8100, s30;
	s20 =	sshrl.u32 s20, $0x2;
	v0 =	vld [tilespmem:s24+$0x0]  }
0x4b: {  	v1 =	vld [tilespmem:s24+$0xFFFFFFE0];
	s22 =	sor.u32 $0x4000, s20  }
0x4c: {  	s31 =	sshrl.u32 s21, $0x2;
	s21 =	sadd.s32 $0x0, s22  }
0x4d: {  	s23 =	simm.s32 $0x4;
	s24 =	sadd.s32 $0x40, s24;
	s20 =	sor.u32 $0x4000, s31;
	[tilespmem:s21+$0x1830 ss:$0x81] =	vst.msk $0xffff, v3  }
.LBB1_3:
0x4e: {  	v3 =	vld [tilespmem:s24+$0x10];
	p1 =	sne.s32 s23, $0x1FC;
	[tilespmem:s21+$0x810 ss:$0x81] =	vst.msk $0xffff, v2;
	s25 =	smov.u32 s23;
	s23 =	sadd.s32 $0x4, s23  }
.Ltmp3:
0x4f: {  	v2 =	vld [tilespmem:s24+$0xFFFFFFF0];
	[tilespmem:s21+$0x1020 ss:$0x81] =	vst.msk $0xffff, v0;
	(pc) =	sbr.rel @p1 .LBB1_3-.Ltmp3, $4  }
0x50: {  	v0 =	vld [tilespmem:s24+$0x0];
	[tilespmem:s21+$0x0 ss:$0x81] =	vst.msk $0xffff, v1  }
0x51: {  	s21 =	sshra.s32 s25, $0x2;
	v1 =	vld [tilespmem:s24+$0xFFFFFFE0]  }
0x52: {  	s21 =	sadd.s32 s21, s22  }
0x53: {  	s24 =	sadd.s32 $0x40, s24;
	[tilespmem:s21+$0x1830 ss:$0x81] =	vst.msk $0xffff, v3  }
.Ltmp4:
0x54: {  	_ = 	snop;
	(pc) =	sbr.rel .LBB1_4-.Ltmp4, $1  }
0x55: {  	_ =	sdelay $0x3  }
.LBB1_6:
0x56: {  	_ =	sfence.sel $0x180000  }
0x57: {  	s2 =	simm.s32 $0x1;
	[bflag:$0x0] =	sbarrier.arrive $0xFFFF  }
0x58: {  	s31 =	simm.s32 $0x2;
	[sflag:s2] =	ssyncpa.u1 $0x1  }
0x59: {  	[sflag:s31] =	ssyncpa.u1 $0x1  }
0x5a: {  	p0 =	sne.s32 s0, $0x0;
	_ =	strace $0x9000004D  }
0x5b: {  	s0 =	sadd.s32 @!p0 $0x100000, s1;
	[bflag:$0x2] =	sbarrier.arrive $0xFFFF  }
0x5c: {  	[sflag:s0] =	ssyncadd.tile.s32 @!p0 $0x1;
	_ =	shalt  }
.Lfunc_end1:
_tile_overlayer_lowered:
.L_overlay_start_2:
0x5d: {  	(tag) =	ssettag $0x2  }
0x5e: {  	s0 =	rddreg [dreg:$0x0];
	s2 =	stileid.u32  }
0x5f: {  	s1 =	rddreg [dreg:$0x1];
	p0 =	sne.s32 s2, $0x0  }
0x60: {  	s3 =	rddreg [dreg:$0x2];
	[bflag:$0x3] =	sbarrier.arrive $0xFFFF;
	s2 =	simm.s32 @!p0 $0x1C01  }
0x61: {  	[timem:s3], [sflag:s2] =	dma.local @!p0 [hbm:s0], s1  }
0x62: {  	s0 =	simm.s32 @!p0 $0x1  }
0x63: {  	_ =	swait.ge @!p0 [sflag:s0], s1  }
0x64: {  	s1 =	ssub.s32 @!p0 $0x0, s1;
	[sflag:s0] =	ssyncset.done @!p0 $0x0  }
0x65: {  	[sflag:s0] =	ssyncadd.s32 @!p0 s1  }
0x66: {  	[bflag:$0x3] =	sbarrier.arrive $0xFFFF  }
0x67: {  	_ =	shalt  }

</sc_bundles>
